<compile_context>
chip_gen: v7x
topology: tpu7x:2x2x1
jax: 0.10.2.dev20260603
libtpu: 0.0.44.dev20260713+nightly
codegen_flags: <defaults>
</compile_context>

<pallas_src>
import functools

import jax
import jax.numpy as jnp
from jax import lax
from jax.experimental import pallas as pl
from jax.experimental.pallas import tpu as pltpu
from jax.experimental.pallas import tpu_sc as plsc

D_MODEL = 1024
BATCH = 4
SEQ = 8192
B_TOTAL = BATCH * SEQ
NUM_CORES = 2
NUM_SUBCORES = 16
NW = NUM_CORES * NUM_SUBCORES
B_PER_W = B_TOTAL // NW
CHUNK = 8
NBUF = 8
PF = 6
N_CHUNKS = B_PER_W // CHUNK
N_GROUPS = N_CHUNKS // NBUF

_mesh = plsc.VectorSubcoreMesh(core_axis_name="c", subcore_axis_name="s")


@functools.partial(
    pl.kernel,
    mesh=_mesh,
    out_type=jax.ShapeDtypeStruct((B_TOTAL, D_MODEL), jnp.float32),
    scratch_types=[
        pltpu.VMEM((B_PER_W,), jnp.int32),
        pltpu.VMEM((NBUF, CHUNK, D_MODEL), jnp.float32),
        [pltpu.SemaphoreType.DMA] * NBUF,
        [pltpu.SemaphoreType.DMA] * NBUF,
    ],
)
def _emb_gather(x_hbm, table_hbm, out_hbm, idx_v, bufs, gsems, wsems):
    wid = lax.axis_index("s") * NUM_CORES + lax.axis_index("c")
    base = wid * B_PER_W
    pltpu.sync_copy(x_hbm.at[pl.ds(base, B_PER_W)], idx_v)

    def gather(i, b):
        off = pl.multiple_of(i * CHUNK, CHUNK)
        return pltpu.make_async_copy(
            table_hbm.at[idx_v.at[pl.ds(off, CHUNK)]], bufs.at[b], gsems[b]
        )

    def write(i, b):
        off = pl.multiple_of(base + i * CHUNK, CHUNK)
        return pltpu.make_async_copy(
            bufs.at[b], out_hbm.at[pl.ds(off, CHUNK)], wsems[b]
        )

    for b in range(PF):
        gather(b, b).start()

    def body(j, _):
        for b in range(NBUF):
            i = j * NBUF + b
            bp = (b + PF) % NBUF

            @pl.when(i + PF < N_CHUNKS)
            def _():
                @pl.when(i + PF >= NBUF)
                def _():
                    write(i + PF - NBUF, bp).wait()

                gather(i + PF, bp).start()

            gather(i, b).wait()
            write(i, b).start()

        return 0

    lax.fori_loop(0, N_GROUPS, body, 0)

    for i in range(N_CHUNKS - NBUF, N_CHUNKS):
        write(i, i % NBUF).wait()


def kernel(x, table):
    out = _emb_gather(x.reshape(B_TOTAL), table)
    return out.reshape(BATCH, SEQ, D_MODEL)

# --- scband reference (transcript-rebuilt; emitter-appended) ---
"""Pipeline reference for scband-learned-positional-encoding-67121748902162 (READ-ONLY COPY).

The authoritative reference and input builder live on the scoring server;
editing this copy changes nothing except your own understanding.
"""

import jax, jax.numpy as jnp
import numpy as np

D_MODEL = 1024
BLOCK_SIZE = 8192
BATCH = 4
SEQ = 8192


def setup_inputs(seed: int = 0) -> dict:
    key = jax.random.key(seed)
    k1, k2 = jax.random.split(key)
    x = jax.random.randint(k1, (BATCH, SEQ), 0, BLOCK_SIZE, dtype=jnp.int32)
    # learned positional embedding table, nn.Embedding default init ~ N(0,1)
    table = jax.random.normal(k2, (BLOCK_SIZE, D_MODEL), dtype=jnp.float32)
    return {"x": x, "table": table}


def reference(x, table):
    # embedding lookup: table[x]; dropout(p=0.0) is identity in eval/zero-p
    out = jnp.take(table, x, axis=0)
    return out

if __name__ == "__main__":
    import jax
    _d = setup_inputs()
    print(jax.jit(kernel)(*tuple(_d.values())))

</pallas_src>

<mosaic_0001>
#map = affine_map<(d0, d1) -> (0)>
#map1 = affine_map<(d0, d1) -> (0, 0)>
module attributes {stable_mosaic.version = 14 : i64} {
  func.func @_emb_gather(%arg0: i32, %arg1: i32, %arg2: memref<32768xi32, #tpu.memory_space<hbm>>, %arg3: memref<8192x1024xf32, #tpu.memory_space<hbm>>, %arg4: memref<32768x1024xf32, #tpu.memory_space<hbm>>, %arg5: memref<1024xi32, #tpu.memory_space<vmem>>, %arg6: memref<8x8x1024xf32, #tpu.memory_space<vmem>>, %arg7: memref<!tpu.dma_semaphore, #tpu.memory_space<semaphore_mem>>, %arg8: memref<!tpu.dma_semaphore, #tpu.memory_space<semaphore_mem>>, %arg9: memref<!tpu.dma_semaphore, #tpu.memory_space<semaphore_mem>>, %arg10: memref<!tpu.dma_semaphore, #tpu.memory_space<semaphore_mem>>, %arg11: memref<!tpu.dma_semaphore, #tpu.memory_space<semaphore_mem>>, %arg12: memref<!tpu.dma_semaphore, #tpu.memory_space<semaphore_mem>>, %arg13: memref<!tpu.dma_semaphore, #tpu.memory_space<semaphore_mem>>, %arg14: memref<!tpu.dma_semaphore, #tpu.memory_space<semaphore_mem>>, %arg15: memref<!tpu.dma_semaphore, #tpu.memory_space<semaphore_mem>>, %arg16: memref<!tpu.dma_semaphore, #tpu.memory_space<semaphore_mem>>, %arg17: memref<!tpu.dma_semaphore, #tpu.memory_space<semaphore_mem>>, %arg18: memref<!tpu.dma_semaphore, #tpu.memory_space<semaphore_mem>>, %arg19: memref<!tpu.dma_semaphore, #tpu.memory_space<semaphore_mem>>, %arg20: memref<!tpu.dma_semaphore, #tpu.memory_space<semaphore_mem>>, %arg21: memref<!tpu.dma_semaphore, #tpu.memory_space<semaphore_mem>>, %arg22: memref<!tpu.dma_semaphore, #tpu.memory_space<semaphore_mem>>) attributes {dimension_semantics = [#tpu.dimension_semantics<core_parallel>, #tpu.dimension_semantics<subcore_parallel>], iteration_bounds = array<i64: 2, 16>, scalar_prefetch = 0 : i64, scratch_operands = 18 : i64, tpu.core_type = #tpu.core_type<sc_vector_subcore>, window_params = [{transform_indices = #map}, {transform_indices = #map1}, {transform_indices = #map1}]} {
    %mul3A = arith.constant 2 : i32
    %mul3A_0 = arith.muli %arg1, %mul3A : i32
    %add3A = arith.addi %mul3A_0, %arg0 : i32
    %mul3A_1 = arith.constant 1024 : i32
    %mul3A_2 = arith.muli %add3A, %mul3A_1 : i32
    "tpu.region"() ({
      %run_scoped3A = tpu.sem_alloc : memref<!tpu.dma_semaphore, #tpu.memory_space<semaphore_mem>>
      %dma_start3A_200 = tpu.memref_slice %arg2[%mul3A_2] : memref<32768xi32, #tpu.memory_space<hbm>> -> memref<1024xi32, #tpu.memory_space<hbm>>
      %dma_start3A_201 = tpu.memref_slice %arg2[%mul3A_2] : memref<32768xi32, #tpu.memory_space<hbm>> -> memref<1024xi32, #tpu.memory_space<hbm>>
      tpu.enqueue_dma source(%dma_start3A_201 : memref<1024xi32, #tpu.memory_space<hbm>>) target(%arg5 : memref<1024xi32, #tpu.memory_space<vmem>>) target_semaphore(%run_scoped3A : memref<!tpu.dma_semaphore, #tpu.memory_space<semaphore_mem>>)
      %dma_wait3A_202 = tpu.memref_slice %arg2[%mul3A_2] : memref<32768xi32, #tpu.memory_space<hbm>> -> memref<1024xi32, #tpu.memory_space<hbm>>
      %dma_wait3A_203 = tpu.memref_slice %arg2[%mul3A_2] : memref<32768xi32, #tpu.memory_space<hbm>> -> memref<1024xi32, #tpu.memory_space<hbm>>
      tpu.wait_dma2 semaphore(%run_scoped3A : memref<!tpu.dma_semaphore, #tpu.memory_space<semaphore_mem>>) src(%dma_wait3A_203 : memref<1024xi32, #tpu.memory_space<hbm>>) dst(%arg5 : memref<1024xi32, #tpu.memory_space<vmem>>)
      tpu.yield
    }) : () -> ()
    %multiple_of3A = arith.constant 0 : i32
    %multiple_of3A_3 = tpu.assume_multiple %multiple_of3A, 8 : i32
    %dma_start3A = arith.constant 0 : i32
    %dma_start3A_4 = arith.constant 0 : i32
    %dma_start3A_5 = arith.constant 0 : i32
    %dma_start3A_6 = tpu.memref_slice %arg6[%dma_start3A, %dma_start3A_4, %dma_start3A_5] : memref<8x8x1024xf32, #tpu.memory_space<vmem>> -> memref<1x8x1024xf32, #tpu.memory_space<vmem>>
    %dma_start3A_7 = tpu.memref_squeeze %dma_start3A_6 : memref<1x8x1024xf32, #tpu.memory_space<vmem>> -> memref<8x1024xf32, #tpu.memory_space<vmem>>
    %dma_start3A_8 = tpu.memref_slice %arg5[%multiple_of3A_3] : memref<1024xi32, #tpu.memory_space<vmem>> -> memref<8xi32, #tpu.memory_space<vmem>>
    %dma_start3A_9 = arith.constant 0 : i32
    %dma_start3A_10 = arith.constant 0 : i32
    %dma_start3A_11 = tpu.memref_slice %arg3[%dma_start3A_9, %dma_start3A_10] : memref<8192x1024xf32, #tpu.memory_space<hbm>> -> memref<8192x1024xf32, #tpu.memory_space<hbm>>
    tpu.enqueue_indirect_dma source(%dma_start3A_11 : memref<8192x1024xf32, #tpu.memory_space<hbm>>) target(%dma_start3A_7 : memref<8x1024xf32, #tpu.memory_space<vmem>>) offsets(%dma_start3A_8 : memref<8xi32, #tpu.memory_space<vmem>>) semaphore(%arg7 : memref<!tpu.dma_semaphore, #tpu.memory_space<semaphore_mem>>)
    %multiple_of3A_12 = arith.constant 8 : i32
    %multiple_of3A_13 = tpu.assume_multiple %multiple_of3A_12, 8 : i32
    %dma_start3A_14 = arith.constant 1 : i32
    %dma_start3A_15 = arith.constant 0 : i32
    %dma_start3A_16 = arith.constant 0 : i32
    %dma_start3A_17 = tpu.memref_slice %arg6[%dma_start3A_14, %dma_start3A_15, %dma_start3A_16] : memref<8x8x1024xf32, #tpu.memory_space<vmem>> -> memref<1x8x1024xf32, #tpu.memory_space<vmem>>
    %dma_start3A_18 = tpu.memref_squeeze %dma_start3A_17 : memref<1x8x1024xf32, #tpu.memory_space<vmem>> -> memref<8x1024xf32, #tpu.memory_space<vmem>>
    %dma_start3A_19 = tpu.memref_slice %arg5[%multiple_of3A_13] : memref<1024xi32, #tpu.memory_space<vmem>> -> memref<8xi32, #tpu.memory_space<vmem>>
    %dma_start3A_20 = arith.constant 0 : i32
    %dma_start3A_21 = arith.constant 0 : i32
    %dma_start3A_22 = tpu.memref_slice %arg3[%dma_start3A_20, %dma_start3A_21] : memref<8192x1024xf32, #tpu.memory_space<hbm>> -> memref<8192x1024xf32, #tpu.memory_space<hbm>>
    tpu.enqueue_indirect_dma source(%dma_start3A_22 : memref<8192x1024xf32, #tpu.memory_space<hbm>>) target(%dma_start3A_18 : memref<8x1024xf32, #tpu.memory_space<vmem>>) offsets(%dma_start3A_19 : memref<8xi32, #tpu.memory_space<vmem>>) semaphore(%arg8 : memref<!tpu.dma_semaphore, #tpu.memory_space<semaphore_mem>>)
    %multiple_of3A_23 = arith.constant 16 : i32
    %multiple_of3A_24 = tpu.assume_multiple %multiple_of3A_23, 8 : i32
    %dma_start3A_25 = arith.constant 2 : i32
    %dma_start3A_26 = arith.constant 0 : i32
    %dma_start3A_27 = arith.constant 0 : i32
    %dma_start3A_28 = tpu.memref_slice %arg6[%dma_start3A_25, %dma_start3A_26, %dma_start3A_27] : memref<8x8x1024xf32, #tpu.memory_space<vmem>> -> memref<1x8x1024xf32, #tpu.memory_space<vmem>>
    %dma_start3A_29 = tpu.memref_squeeze %dma_start3A_28 : memref<1x8x1024xf32, #tpu.memory_space<vmem>> -> memref<8x1024xf32, #tpu.memory_space<vmem>>
    %dma_start3A_30 = tpu.memref_slice %arg5[%multiple_of3A_24] : memref<1024xi32, #tpu.memory_space<vmem>> -> memref<8xi32, #tpu.memory_space<vmem>>
    %dma_start3A_31 = arith.constant 0 : i32
    %dma_start3A_32 = arith.constant 0 : i32
    %dma_start3A_33 = tpu.memref_slice %arg3[%dma_start3A_31, %dma_start3A_32] : memref<8192x1024xf32, #tpu.memory_space<hbm>> -> memref<8192x1024xf32, #tpu.memory_space<hbm>>
    tpu.enqueue_indirect_dma source(%dma_start3A_33 : memref<8192x1024xf32, #tpu.memory_space<hbm>>) target(%dma_start3A_29 : memref<8x1024xf32, #tpu.memory_space<vmem>>) offsets(%dma_start3A_30 : memref<8xi32, #tpu.memory_space<vmem>>) semaphore(%arg9 : memref<!tpu.dma_semaphore, #tpu.memory_space<semaphore_mem>>)
    %multiple_of3A_34 = arith.constant 24 : i32
    %multiple_of3A_35 = tpu.assume_multiple %multiple_of3A_34, 8 : i32
    %dma_start3A_36 = arith.constant 3 : i32
    %dma_start3A_37 = arith.constant 0 : i32
    %dma_start3A_38 = arith.constant 0 : i32
    %dma_start3A_39 = tpu.memref_slice %arg6[%dma_start3A_36, %dma_start3A_37, %dma_start3A_38] : memref<8x8x1024xf32, #tpu.memory_space<vmem>> -> memref<1x8x1024xf32, #tpu.memory_space<vmem>>
    %dma_start3A_40 = tpu.memref_squeeze %dma_start3A_39 : memref<1x8x1024xf32, #tpu.memory_space<vmem>> -> memref<8x1024xf32, #tpu.memory_space<vmem>>
    %dma_start3A_41 = tpu.memref_slice %arg5[%multiple_of3A_35] : memref<1024xi32, #tpu.memory_space<vmem>> -> memref<8xi32, #tpu.memory_space<vmem>>
    %dma_start3A_42 = arith.constant 0 : i32
    %dma_start3A_43 = arith.constant 0 : i32
    %dma_start3A_44 = tpu.memref_slice %arg3[%dma_start3A_42, %dma_start3A_43] : memref<8192x1024xf32, #tpu.memory_space<hbm>> -> memref<8192x1024xf32, #tpu.memory_space<hbm>>
    tpu.enqueue_indirect_dma source(%dma_start3A_44 : memref<8192x1024xf32, #tpu.memory_space<hbm>>) target(%dma_start3A_40 : memref<8x1024xf32, #tpu.memory_space<vmem>>) offsets(%dma_start3A_41 : memref<8xi32, #tpu.memory_space<vmem>>) semaphore(%arg10 : memref<!tpu.dma_semaphore, #tpu.memory_space<semaphore_mem>>)
    %multiple_of3A_45 = arith.constant 32 : i32
    %multiple_of3A_46 = tpu.assume_multiple %multiple_of3A_45, 8 : i32
    %dma_start3A_47 = arith.constant 4 : i32
    %dma_start3A_48 = arith.constant 0 : i32
    %dma_start3A_49 = arith.constant 0 : i32
    %dma_start3A_50 = tpu.memref_slice %arg6[%dma_start3A_47, %dma_start3A_48, %dma_start3A_49] : memref<8x8x1024xf32, #tpu.memory_space<vmem>> -> memref<1x8x1024xf32, #tpu.memory_space<vmem>>
    %dma_start3A_51 = tpu.memref_squeeze %dma_start3A_50 : memref<1x8x1024xf32, #tpu.memory_space<vmem>> -> memref<8x1024xf32, #tpu.memory_space<vmem>>
    %dma_start3A_52 = tpu.memref_slice %arg5[%multiple_of3A_46] : memref<1024xi32, #tpu.memory_space<vmem>> -> memref<8xi32, #tpu.memory_space<vmem>>
    %dma_start3A_53 = arith.constant 0 : i32
    %dma_start3A_54 = arith.constant 0 : i32
    %dma_start3A_55 = tpu.memref_slice %arg3[%dma_start3A_53, %dma_start3A_54] : memref<8192x1024xf32, #tpu.memory_space<hbm>> -> memref<8192x1024xf32, #tpu.memory_space<hbm>>
    tpu.enqueue_indirect_dma source(%dma_start3A_55 : memref<8192x1024xf32, #tpu.memory_space<hbm>>) target(%dma_start3A_51 : memref<8x1024xf32, #tpu.memory_space<vmem>>) offsets(%dma_start3A_52 : memref<8xi32, #tpu.memory_space<vmem>>) semaphore(%arg11 : memref<!tpu.dma_semaphore, #tpu.memory_space<semaphore_mem>>)
    %multiple_of3A_56 = arith.constant 40 : i32
    %multiple_of3A_57 = tpu.assume_multiple %multiple_of3A_56, 8 : i32
    %dma_start3A_58 = arith.constant 5 : i32
    %dma_start3A_59 = arith.constant 0 : i32
    %dma_start3A_60 = arith.constant 0 : i32
    %dma_start3A_61 = tpu.memref_slice %arg6[%dma_start3A_58, %dma_start3A_59, %dma_start3A_60] : memref<8x8x1024xf32, #tpu.memory_space<vmem>> -> memref<1x8x1024xf32, #tpu.memory_space<vmem>>
    %dma_start3A_62 = tpu.memref_squeeze %dma_start3A_61 : memref<1x8x1024xf32, #tpu.memory_space<vmem>> -> memref<8x1024xf32, #tpu.memory_space<vmem>>
    %dma_start3A_63 = tpu.memref_slice %arg5[%multiple_of3A_57] : memref<1024xi32, #tpu.memory_space<vmem>> -> memref<8xi32, #tpu.memory_space<vmem>>
    %dma_start3A_64 = arith.constant 0 : i32
    %dma_start3A_65 = arith.constant 0 : i32
    %dma_start3A_66 = tpu.memref_slice %arg3[%dma_start3A_64, %dma_start3A_65] : memref<8192x1024xf32, #tpu.memory_space<hbm>> -> memref<8192x1024xf32, #tpu.memory_space<hbm>>
    tpu.enqueue_indirect_dma source(%dma_start3A_66 : memref<8192x1024xf32, #tpu.memory_space<hbm>>) target(%dma_start3A_62 : memref<8x1024xf32, #tpu.memory_space<vmem>>) offsets(%dma_start3A_63 : memref<8xi32, #tpu.memory_space<vmem>>) semaphore(%arg12 : memref<!tpu.dma_semaphore, #tpu.memory_space<semaphore_mem>>)
    %scan3A = arith.constant 0 : i32
    %scan3A_67 = arith.constant 0 : i32
    %scan3A_68 = arith.constant 16 : i32
    %scan3A_69 = arith.addi %scan3A_67, %scan3A_68 : i32
    %scan3A_70 = arith.constant 1 : i32
    %scan3A_71 = scf.for %scan3A_200 = %scan3A_67 to %scan3A_69 step %scan3A_70 iter_args(%scan3A_201 = %scan3A) -> (i32)  : i32 {
      %mul3A_202 = arith.constant 8 : i32
      %mul3A_203 = arith.muli %scan3A_200, %mul3A_202 : i32
      %add3A_204 = arith.constant 0 : i32
      %add3A_205 = arith.addi %mul3A_203, %add3A_204 : i32
      %add3A_206 = arith.constant 6 : i32
      %add3A_207 = arith.addi %add3A_205, %add3A_206 : i32
      %lt3A = arith.constant 128 : i32
      %lt3A_208 = arith.cmpi slt, %add3A_207, %lt3A : i32
      %convert_element_type3A = arith.extui %lt3A_208 : i1 to i32
      %cond3A = arith.constant 0 : i32
      %cond3A_209 = arith.cmpi ne, %convert_element_type3A, %cond3A : i32
      scf.if %cond3A_209 {
        %add3A_520 = arith.constant 6 : i32
        %add3A_521 = arith.addi %add3A_205, %add3A_520 : i32
        %ge3A = arith.constant 8 : i32
        %ge3A_522 = arith.cmpi sge, %add3A_521, %ge3A : i32
        %convert_element_type3A_523 = arith.extui %ge3A_522 : i1 to i32
        %cond3A_524 = arith.constant 0 : i32
        %cond3A_525 = arith.cmpi ne, %convert_element_type3A_523, %cond3A_524 : i32
        scf.if %cond3A_525 {
          %add3A_540 = arith.constant 6 : i32
          %add3A_541 = arith.addi %add3A_205, %add3A_540 : i32
          %sub3A = arith.constant 8 : i32
          %sub3A_542 = arith.subi %add3A_541, %sub3A : i32
          %mul3A_543 = arith.constant 8 : i32
          %mul3A_544 = arith.muli %sub3A_542, %mul3A_543 : i32
          %add3A_545 = arith.addi %mul3A_2, %mul3A_544 : i32
          %multiple_of3A_546 = tpu.assume_multiple %add3A_545, 8 : i32
          %dma_wait3A_547 = arith.constant 6 : i32
          %dma_wait3A_548 = arith.constant 0 : i32
          %dma_wait3A_549 = arith.constant 0 : i32
          %dma_wait3A_550 = tpu.memref_slice %arg6[%dma_wait3A_547, %dma_wait3A_548, %dma_wait3A_549] : memref<8x8x1024xf32, #tpu.memory_space<vmem>> -> memref<1x8x1024xf32, #tpu.memory_space<vmem>>
          %dma_wait3A_551 = tpu.memref_squeeze %dma_wait3A_550 : memref<1x8x1024xf32, #tpu.memory_space<vmem>> -> memref<8x1024xf32, #tpu.memory_space<vmem>>
          %dma_wait3A_552 = arith.constant 0 : i32
          %dma_wait3A_553 = tpu.memref_slice %arg4[%multiple_of3A_546, %dma_wait3A_552] : memref<32768x1024xf32, #tpu.memory_space<hbm>> -> memref<8x1024xf32, #tpu.memory_space<hbm>>
          %dma_wait3A_554 = arith.constant 0 : i32
          %dma_wait3A_555 = tpu.memref_slice %arg4[%multiple_of3A_546, %dma_wait3A_554] : memref<32768x1024xf32, #tpu.memory_space<hbm>> -> memref<8x1024xf32, #tpu.memory_space<hbm>>
          %dma_wait3A_556 = arith.constant 0 : i32
          %dma_wait3A_557 = arith.constant 0 : i32
          %dma_wait3A_558 = tpu.memref_slice %arg6[%dma_wait3A_547, %dma_wait3A_556, %dma_wait3A_557] : memref<8x8x1024xf32, #tpu.memory_space<vmem>> -> memref<1x8x1024xf32, #tpu.memory_space<vmem>>
          %dma_wait3A_559 = tpu.memref_squeeze %dma_wait3A_558 : memref<1x8x1024xf32, #tpu.memory_space<vmem>> -> memref<8x1024xf32, #tpu.memory_space<vmem>>
          tpu.wait_dma2 semaphore(%arg21 : memref<!tpu.dma_semaphore, #tpu.memory_space<semaphore_mem>>) src(%dma_wait3A_559 : memref<8x1024xf32, #tpu.memory_space<vmem>>) dst(%dma_wait3A_555 : memref<8x1024xf32, #tpu.memory_space<hbm>>)
        } else {
        }
        %add3A_526 = arith.constant 6 : i32
        %add3A_527 = arith.addi %add3A_205, %add3A_526 : i32
        %mul3A_528 = arith.constant 8 : i32
        %mul3A_529 = arith.muli %add3A_527, %mul3A_528 : i32
        %multiple_of3A_530 = tpu.assume_multiple %mul3A_529, 8 : i32
        %dma_start3A_531 = arith.constant 6 : i32
        %dma_start3A_532 = arith.constant 0 : i32
        %dma_start3A_533 = arith.constant 0 : i32
        %dma_start3A_534 = tpu.memref_slice %arg6[%dma_start3A_531, %dma_start3A_532, %dma_start3A_533] : memref<8x8x1024xf32, #tpu.memory_space<vmem>> -> memref<1x8x1024xf32, #tpu.memory_space<vmem>>
        %dma_start3A_535 = tpu.memref_squeeze %dma_start3A_534 : memref<1x8x1024xf32, #tpu.memory_space<vmem>> -> memref<8x1024xf32, #tpu.memory_space<vmem>>
        %dma_start3A_536 = tpu.memref_slice %arg5[%multiple_of3A_530] : memref<1024xi32, #tpu.memory_space<vmem>> -> memref<8xi32, #tpu.memory_space<vmem>>
        %dma_start3A_537 = arith.constant 0 : i32
        %dma_start3A_538 = arith.constant 0 : i32
        %dma_start3A_539 = tpu.memref_slice %arg3[%dma_start3A_537, %dma_start3A_538] : memref<8192x1024xf32, #tpu.memory_space<hbm>> -> memref<8192x1024xf32, #tpu.memory_space<hbm>>
        tpu.enqueue_indirect_dma source(%dma_start3A_539 : memref<8192x1024xf32, #tpu.memory_space<hbm>>) target(%dma_start3A_535 : memref<8x1024xf32, #tpu.memory_space<vmem>>) offsets(%dma_start3A_536 : memref<8xi32, #tpu.memory_space<vmem>>) semaphore(%arg13 : memref<!tpu.dma_semaphore, #tpu.memory_space<semaphore_mem>>)
      } else {
      }
      %mul3A_210 = arith.constant 8 : i32
      %mul3A_211 = arith.muli %add3A_205, %mul3A_210 : i32
      %multiple_of3A_212 = tpu.assume_multiple %mul3A_211, 8 : i32
      %dma_wait3A_213 = arith.constant 0 : i32
      %dma_wait3A_214 = arith.constant 0 : i32
      %dma_wait3A_215 = arith.constant 0 : i32
      %dma_wait3A_216 = tpu.memref_slice %arg6[%dma_wait3A_213, %dma_wait3A_214, %dma_wait3A_215] : memref<8x8x1024xf32, #tpu.memory_space<vmem>> -> memref<1x8x1024xf32, #tpu.memory_space<vmem>>
      %dma_wait3A_217 = tpu.memref_squeeze %dma_wait3A_216 : memref<1x8x1024xf32, #tpu.memory_space<vmem>> -> memref<8x1024xf32, #tpu.memory_space<vmem>>
      %dma_wait3A_218 = tpu.memref_slice %arg5[%multiple_of3A_212] : memref<1024xi32, #tpu.memory_space<vmem>> -> memref<8xi32, #tpu.memory_space<vmem>>
      %dma_wait3A_219 = arith.constant 0 : i32
      %dma_wait3A_220 = arith.constant 0 : i32
      %dma_wait3A_221 = tpu.memref_slice %arg3[%dma_wait3A_219, %dma_wait3A_220] : memref<8192x1024xf32, #tpu.memory_space<hbm>> -> memref<8192x1024xf32, #tpu.memory_space<hbm>>
      tpu.wait_indirect_dma semaphore(%arg7 : memref<!tpu.dma_semaphore, #tpu.memory_space<semaphore_mem>>) src(%dma_wait3A_221 : memref<8192x1024xf32, #tpu.memory_space<hbm>>) dst(%dma_wait3A_217 : memref<8x1024xf32, #tpu.memory_space<vmem>>)
      %mul3A_222 = arith.constant 8 : i32
      %mul3A_223 = arith.muli %add3A_205, %mul3A_222 : i32
      %add3A_224 = arith.addi %mul3A_2, %mul3A_223 : i32
      %multiple_of3A_225 = tpu.assume_multiple %add3A_224, 8 : i32
      %dma_start3A_226 = arith.constant 0 : i32
      %dma_start3A_227 = arith.constant 0 : i32
      %dma_start3A_228 = arith.constant 0 : i32
      %dma_start3A_229 = tpu.memref_slice %arg6[%dma_start3A_226, %dma_start3A_227, %dma_start3A_228] : memref<8x8x1024xf32, #tpu.memory_space<vmem>> -> memref<1x8x1024xf32, #tpu.memory_space<vmem>>
      %dma_start3A_230 = tpu.memref_squeeze %dma_start3A_229 : memref<1x8x1024xf32, #tpu.memory_space<vmem>> -> memref<8x1024xf32, #tpu.memory_space<vmem>>
      %dma_start3A_231 = arith.constant 0 : i32
      %dma_start3A_232 = tpu.memref_slice %arg4[%multiple_of3A_225, %dma_start3A_231] : memref<32768x1024xf32, #tpu.memory_space<hbm>> -> memref<8x1024xf32, #tpu.memory_space<hbm>>
      %dma_start3A_233 = arith.constant 0 : i32
      %dma_start3A_234 = tpu.memref_slice %arg4[%multiple_of3A_225, %dma_start3A_233] : memref<32768x1024xf32, #tpu.memory_space<hbm>> -> memref<8x1024xf32, #tpu.memory_space<hbm>>
      %dma_start3A_235 = arith.constant 0 : i32
      %dma_start3A_236 = arith.constant 0 : i32
      %dma_start3A_237 = tpu.memref_slice %arg6[%dma_start3A_226, %dma_start3A_235, %dma_start3A_236] : memref<8x8x1024xf32, #tpu.memory_space<vmem>> -> memref<1x8x1024xf32, #tpu.memory_space<vmem>>
      %dma_start3A_238 = tpu.memref_squeeze %dma_start3A_237 : memref<1x8x1024xf32, #tpu.memory_space<vmem>> -> memref<8x1024xf32, #tpu.memory_space<vmem>>
      tpu.enqueue_dma source(%dma_start3A_238 : memref<8x1024xf32, #tpu.memory_space<vmem>>) target(%dma_start3A_234 : memref<8x1024xf32, #tpu.memory_space<hbm>>) target_semaphore(%arg15 : memref<!tpu.dma_semaphore, #tpu.memory_space<semaphore_mem>>)
      %mul3A_239 = arith.constant 8 : i32
      %mul3A_240 = arith.muli %scan3A_200, %mul3A_239 : i32
      %add3A_241 = arith.constant 1 : i32
      %add3A_242 = arith.addi %mul3A_240, %add3A_241 : i32
      %add3A_243 = arith.constant 6 : i32
      %add3A_244 = arith.addi %add3A_242, %add3A_243 : i32
      %lt3A_245 = arith.constant 128 : i32
      %lt3A_246 = arith.cmpi slt, %add3A_244, %lt3A_245 : i32
      %convert_element_type3A_247 = arith.extui %lt3A_246 : i1 to i32
      %cond3A_248 = arith.constant 0 : i32
      %cond3A_249 = arith.cmpi ne, %convert_element_type3A_247, %cond3A_248 : i32
      scf.if %cond3A_249 {
        %add3A_520 = arith.constant 6 : i32
        %add3A_521 = arith.addi %add3A_242, %add3A_520 : i32
        %ge3A = arith.constant 8 : i32
        %ge3A_522 = arith.cmpi sge, %add3A_521, %ge3A : i32
        %convert_element_type3A_523 = arith.extui %ge3A_522 : i1 to i32
        %cond3A_524 = arith.constant 0 : i32
        %cond3A_525 = arith.cmpi ne, %convert_element_type3A_523, %cond3A_524 : i32
        scf.if %cond3A_525 {
          %add3A_540 = arith.constant 6 : i32
          %add3A_541 = arith.addi %add3A_242, %add3A_540 : i32
          %sub3A = arith.constant 8 : i32
          %sub3A_542 = arith.subi %add3A_541, %sub3A : i32
          %mul3A_543 = arith.constant 8 : i32
          %mul3A_544 = arith.muli %sub3A_542, %mul3A_543 : i32
          %add3A_545 = arith.addi %mul3A_2, %mul3A_544 : i32
          %multiple_of3A_546 = tpu.assume_multiple %add3A_545, 8 : i32
          %dma_wait3A_547 = arith.constant 7 : i32
          %dma_wait3A_548 = arith.constant 0 : i32
          %dma_wait3A_549 = arith.constant 0 : i32
          %dma_wait3A_550 = tpu.memref_slice %arg6[%dma_wait3A_547, %dma_wait3A_548, %dma_wait3A_549] : memref<8x8x1024xf32, #tpu.memory_space<vmem>> -> memref<1x8x1024xf32, #tpu.memory_space<vmem>>
          %dma_wait3A_551 = tpu.memref_squeeze %dma_wait3A_550 : memref<1x8x1024xf32, #tpu.memory_space<vmem>> -> memref<8x1024xf32, #tpu.memory_space<vmem>>
          %dma_wait3A_552 = arith.constant 0 : i32
          %dma_wait3A_553 = tpu.memref_slice %arg4[%multiple_of3A_546, %dma_wait3A_552] : memref<32768x1024xf32, #tpu.memory_space<hbm>> -> memref<8x1024xf32, #tpu.memory_space<hbm>>
          %dma_wait3A_554 = arith.constant 0 : i32
          %dma_wait3A_555 = tpu.memref_slice %arg4[%multiple_of3A_546, %dma_wait3A_554] : memref<32768x1024xf32, #tpu.memory_space<hbm>> -> memref<8x1024xf32, #tpu.memory_space<hbm>>
          %dma_wait3A_556 = arith.constant 0 : i32
          %dma_wait3A_557 = arith.constant 0 : i32
          %dma_wait3A_558 = tpu.memref_slice %arg6[%dma_wait3A_547, %dma_wait3A_556, %dma_wait3A_557] : memref<8x8x1024xf32, #tpu.memory_space<vmem>> -> memref<1x8x1024xf32, #tpu.memory_space<vmem>>
          %dma_wait3A_559 = tpu.memref_squeeze %dma_wait3A_558 : memref<1x8x1024xf32, #tpu.memory_space<vmem>> -> memref<8x1024xf32, #tpu.memory_space<vmem>>
          tpu.wait_dma2 semaphore(%arg22 : memref<!tpu.dma_semaphore, #tpu.memory_space<semaphore_mem>>) src(%dma_wait3A_559 : memref<8x1024xf32, #tpu.memory_space<vmem>>) dst(%dma_wait3A_555 : memref<8x1024xf32, #tpu.memory_space<hbm>>)
        } else {
        }
        %add3A_526 = arith.constant 6 : i32
        %add3A_527 = arith.addi %add3A_242, %add3A_526 : i32
        %mul3A_528 = arith.constant 8 : i32
        %mul3A_529 = arith.muli %add3A_527, %mul3A_528 : i32
        %multiple_of3A_530 = tpu.assume_multiple %mul3A_529, 8 : i32
        %dma_start3A_531 = arith.constant 7 : i32
        %dma_start3A_532 = arith.constant 0 : i32
        %dma_start3A_533 = arith.constant 0 : i32
        %dma_start3A_534 = tpu.memref_slice %arg6[%dma_start3A_531, %dma_start3A_532, %dma_start3A_533] : memref<8x8x1024xf32, #tpu.memory_space<vmem>> -> memref<1x8x1024xf32, #tpu.memory_space<vmem>>
        %dma_start3A_535 = tpu.memref_squeeze %dma_start3A_534 : memref<1x8x1024xf32, #tpu.memory_space<vmem>> -> memref<8x1024xf32, #tpu.memory_space<vmem>>
        %dma_start3A_536 = tpu.memref_slice %arg5[%multiple_of3A_530] : memref<1024xi32, #tpu.memory_space<vmem>> -> memref<8xi32, #tpu.memory_space<vmem>>
        %dma_start3A_537 = arith.constant 0 : i32
        %dma_start3A_538 = arith.constant 0 : i32
        %dma_start3A_539 = tpu.memref_slice %arg3[%dma_start3A_537, %dma_start3A_538] : memref<8192x1024xf32, #tpu.memory_space<hbm>> -> memref<8192x1024xf32, #tpu.memory_space<hbm>>
        tpu.enqueue_indirect_dma source(%dma_start3A_539 : memref<8192x1024xf32, #tpu.memory_space<hbm>>) target(%dma_start3A_535 : memref<8x1024xf32, #tpu.memory_space<vmem>>) offsets(%dma_start3A_536 : memref<8xi32, #tpu.memory_space<vmem>>) semaphore(%arg14 : memref<!tpu.dma_semaphore, #tpu.memory_space<semaphore_mem>>)
      } else {
      }
      %mul3A_250 = arith.constant 8 : i32
      %mul3A_251 = arith.muli %add3A_242, %mul3A_250 : i32
      %multiple_of3A_252 = tpu.assume_multiple %mul3A_251, 8 : i32
      %dma_wait3A_253 = arith.constant 1 : i32
      %dma_wait3A_254 = arith.constant 0 : i32
      %dma_wait3A_255 = arith.constant 0 : i32
      %dma_wait3A_256 = tpu.memref_slice %arg6[%dma_wait3A_253, %dma_wait3A_254, %dma_wait3A_255] : memref<8x8x1024xf32, #tpu.memory_space<vmem>> -> memref<1x8x1024xf32, #tpu.memory_space<vmem>>
      %dma_wait3A_257 = tpu.memref_squeeze %dma_wait3A_256 : memref<1x8x1024xf32, #tpu.memory_space<vmem>> -> memref<8x1024xf32, #tpu.memory_space<vmem>>
      %dma_wait3A_258 = tpu.memref_slice %arg5[%multiple_of3A_252] : memref<1024xi32, #tpu.memory_space<vmem>> -> memref<8xi32, #tpu.memory_space<vmem>>
      %dma_wait3A_259 = arith.constant 0 : i32
      %dma_wait3A_260 = arith.constant 0 : i32
      %dma_wait3A_261 = tpu.memref_slice %arg3[%dma_wait3A_259, %dma_wait3A_260] : memref<8192x1024xf32, #tpu.memory_space<hbm>> -> memref<8192x1024xf32, #tpu.memory_space<hbm>>
      tpu.wait_indirect_dma semaphore(%arg8 : memref<!tpu.dma_semaphore, #tpu.memory_space<semaphore_mem>>) src(%dma_wait3A_261 : memref<8192x1024xf32, #tpu.memory_space<hbm>>) dst(%dma_wait3A_257 : memref<8x1024xf32, #tpu.memory_space<vmem>>)
      %mul3A_262 = arith.constant 8 : i32
      %mul3A_263 = arith.muli %add3A_242, %mul3A_262 : i32
      %add3A_264 = arith.addi %mul3A_2, %mul3A_263 : i32
      %multiple_of3A_265 = tpu.assume_multiple %add3A_264, 8 : i32
      %dma_start3A_266 = arith.constant 1 : i32
      %dma_start3A_267 = arith.constant 0 : i32
      %dma_start3A_268 = arith.constant 0 : i32
      %dma_start3A_269 = tpu.memref_slice %arg6[%dma_start3A_266, %dma_start3A_267, %dma_start3A_268] : memref<8x8x1024xf32, #tpu.memory_space<vmem>> -> memref<1x8x1024xf32, #tpu.memory_space<vmem>>
      %dma_start3A_270 = tpu.memref_squeeze %dma_start3A_269 : memref<1x8x1024xf32, #tpu.memory_space<vmem>> -> memref<8x1024xf32, #tpu.memory_space<vmem>>
      %dma_start3A_271 = arith.constant 0 : i32
      %dma_start3A_272 = tpu.memref_slice %arg4[%multiple_of3A_265, %dma_start3A_271] : memref<32768x1024xf32, #tpu.memory_space<hbm>> -> memref<8x1024xf32, #tpu.memory_space<hbm>>
      %dma_start3A_273 = arith.constant 0 : i32
      %dma_start3A_274 = tpu.memref_slice %arg4[%multiple_of3A_265, %dma_start3A_273] : memref<32768x1024xf32, #tpu.memory_space<hbm>> -> memref<8x1024xf32, #tpu.memory_space<hbm>>
      %dma_start3A_275 = arith.constant 0 : i32
      %dma_start3A_276 = arith.constant 0 : i32
      %dma_start3A_277 = tpu.memref_slice %arg6[%dma_start3A_266, %dma_start3A_275, %dma_start3A_276] : memref<8x8x1024xf32, #tpu.memory_space<vmem>> -> memref<1x8x1024xf32, #tpu.memory_space<vmem>>
      %dma_start3A_278 = tpu.memref_squeeze %dma_start3A_277 : memref<1x8x1024xf32, #tpu.memory_space<vmem>> -> memref<8x1024xf32, #tpu.memory_space<vmem>>
      tpu.enqueue_dma source(%dma_start3A_278 : memref<8x1024xf32, #tpu.memory_space<vmem>>) target(%dma_start3A_274 : memref<8x1024xf32, #tpu.memory_space<hbm>>) target_semaphore(%arg16 : memref<!tpu.dma_semaphore, #tpu.memory_space<semaphore_mem>>)
      %mul3A_279 = arith.constant 8 : i32
      %mul3A_280 = arith.muli %scan3A_200, %mul3A_279 : i32
      %add3A_281 = arith.constant 2 : i32
      %add3A_282 = arith.addi %mul3A_280, %add3A_281 : i32
      %add3A_283 = arith.constant 6 : i32
      %add3A_284 = arith.addi %add3A_282, %add3A_283 : i32
      %lt3A_285 = arith.constant 128 : i32
      %lt3A_286 = arith.cmpi slt, %add3A_284, %lt3A_285 : i32
      %convert_element_type3A_287 = arith.extui %lt3A_286 : i1 to i32
      %cond3A_288 = arith.constant 0 : i32
      %cond3A_289 = arith.cmpi ne, %convert_element_type3A_287, %cond3A_288 : i32
      scf.if %cond3A_289 {
        %add3A_520 = arith.constant 6 : i32
        %add3A_521 = arith.addi %add3A_282, %add3A_520 : i32
        %ge3A = arith.constant 8 : i32
        %ge3A_522 = arith.cmpi sge, %add3A_521, %ge3A : i32
        %convert_element_type3A_523 = arith.extui %ge3A_522 : i1 to i32
        %cond3A_524 = arith.constant 0 : i32
        %cond3A_525 = arith.cmpi ne, %convert_element_type3A_523, %cond3A_524 : i32
        scf.if %cond3A_525 {
          %add3A_540 = arith.constant 6 : i32
          %add3A_541 = arith.addi %add3A_282, %add3A_540 : i32
          %sub3A = arith.constant 8 : i32
          %sub3A_542 = arith.subi %add3A_541, %sub3A : i32
          %mul3A_543 = arith.constant 8 : i32
          %mul3A_544 = arith.muli %sub3A_542, %mul3A_543 : i32
          %add3A_545 = arith.addi %mul3A_2, %mul3A_544 : i32
          %multiple_of3A_546 = tpu.assume_multiple %add3A_545, 8 : i32
          %dma_wait3A_547 = arith.constant 0 : i32
          %dma_wait3A_548 = arith.constant 0 : i32
          %dma_wait3A_549 = arith.constant 0 : i32
          %dma_wait3A_550 = tpu.memref_slice %arg6[%dma_wait3A_547, %dma_wait3A_548, %dma_wait3A_549] : memref<8x8x1024xf32, #tpu.memory_space<vmem>> -> memref<1x8x1024xf32, #tpu.memory_space<vmem>>
          %dma_wait3A_551 = tpu.memref_squeeze %dma_wait3A_550 : memref<1x8x1024xf32, #tpu.memory_space<vmem>> -> memref<8x1024xf32, #tpu.memory_space<vmem>>
          %dma_wait3A_552 = arith.constant 0 : i32
          %dma_wait3A_553 = tpu.memref_slice %arg4[%multiple_of3A_546, %dma_wait3A_552] : memref<32768x1024xf32, #tpu.memory_space<hbm>> -> memref<8x1024xf32, #tpu.memory_space<hbm>>
          %dma_wait3A_554 = arith.constant 0 : i32
          %dma_wait3A_555 = tpu.memref_slice %arg4[%multiple_of3A_546, %dma_wait3A_554] : memref<32768x1024xf32, #tpu.memory_space<hbm>> -> memref<8x1024xf32, #tpu.memory_space<hbm>>
          %dma_wait3A_556 = arith.constant 0 : i32
          %dma_wait3A_557 = arith.constant 0 : i32
          %dma_wait3A_558 = tpu.memref_slice %arg6[%dma_wait3A_547, %dma_wait3A_556, %dma_wait3A_557] : memref<8x8x1024xf32, #tpu.memory_space<vmem>> -> memref<1x8x1024xf32, #tpu.memory_space<vmem>>
          %dma_wait3A_559 = tpu.memref_squeeze %dma_wait3A_558 : memref<1x8x1024xf32, #tpu.memory_space<vmem>> -> memref<8x1024xf32, #tpu.memory_space<vmem>>
          tpu.wait_dma2 semaphore(%arg15 : memref<!tpu.dma_semaphore, #tpu.memory_space<semaphore_mem>>) src(%dma_wait3A_559 : memref<8x1024xf32, #tpu.memory_space<vmem>>) dst(%dma_wait3A_555 : memref<8x1024xf32, #tpu.memory_space<hbm>>)
        } else {
        }
        %add3A_526 = arith.constant 6 : i32
        %add3A_527 = arith.addi %add3A_282, %add3A_526 : i32
        %mul3A_528 = arith.constant 8 : i32
        %mul3A_529 = arith.muli %add3A_527, %mul3A_528 : i32
        %multiple_of3A_530 = tpu.assume_multiple %mul3A_529, 8 : i32
        %dma_start3A_531 = arith.constant 0 : i32
        %dma_start3A_532 = arith.constant 0 : i32
        %dma_start3A_533 = arith.constant 0 : i32
        %dma_start3A_534 = tpu.memref_slice %arg6[%dma_start3A_531, %dma_start3A_532, %dma_start3A_533] : memref<8x8x1024xf32, #tpu.memory_space<vmem>> -> memref<1x8x1024xf32, #tpu.memory_space<vmem>>
        %dma_start3A_535 = tpu.memref_squeeze %dma_start3A_534 : memref<1x8x1024xf32, #tpu.memory_space<vmem>> -> memref<8x1024xf32, #tpu.memory_space<vmem>>
        %dma_start3A_536 = tpu.memref_slice %arg5[%multiple_of3A_530] : memref<1024xi32, #tpu.memory_space<vmem>> -> memref<8xi32, #tpu.memory_space<vmem>>
        %dma_start3A_537 = arith.constant 0 : i32
        %dma_start3A_538 = arith.constant 0 : i32
        %dma_start3A_539 = tpu.memref_slice %arg3[%dma_start3A_537, %dma_start3A_538] : memref<8192x1024xf32, #tpu.memory_space<hbm>> -> memref<8192x1024xf32, #tpu.memory_space<hbm>>
        tpu.enqueue_indirect_dma source(%dma_start3A_539 : memref<8192x1024xf32, #tpu.memory_space<hbm>>) target(%dma_start3A_535 : memref<8x1024xf32, #tpu.memory_space<vmem>>) offsets(%dma_start3A_536 : memref<8xi32, #tpu.memory_space<vmem>>) semaphore(%arg7 : memref<!tpu.dma_semaphore, #tpu.memory_space<semaphore_mem>>)
      } else {
      }
      %mul3A_290 = arith.constant 8 : i32
      %mul3A_291 = arith.muli %add3A_282, %mul3A_290 : i32
      %multiple_of3A_292 = tpu.assume_multiple %mul3A_291, 8 : i32
      %dma_wait3A_293 = arith.constant 2 : i32
      %dma_wait3A_294 = arith.constant 0 : i32
      %dma_wait3A_295 = arith.constant 0 : i32
      %dma_wait3A_296 = tpu.memref_slice %arg6[%dma_wait3A_293, %dma_wait3A_294, %dma_wait3A_295] : memref<8x8x1024xf32, #tpu.memory_space<vmem>> -> memref<1x8x1024xf32, #tpu.memory_space<vmem>>
      %dma_wait3A_297 = tpu.memref_squeeze %dma_wait3A_296 : memref<1x8x1024xf32, #tpu.memory_space<vmem>> -> memref<8x1024xf32, #tpu.memory_space<vmem>>
      %dma_wait3A_298 = tpu.memref_slice %arg5[%multiple_of3A_292] : memref<1024xi32, #tpu.memory_space<vmem>> -> memref<8xi32, #tpu.memory_space<vmem>>
      %dma_wait3A_299 = arith.constant 0 : i32
      %dma_wait3A_300 = arith.constant 0 : i32
      %dma_wait3A_301 = tpu.memref_slice %arg3[%dma_wait3A_299, %dma_wait3A_300] : memref<8192x1024xf32, #tpu.memory_space<hbm>> -> memref<8192x1024xf32, #tpu.memory_space<hbm>>
      tpu.wait_indirect_dma semaphore(%arg9 : memref<!tpu.dma_semaphore, #tpu.memory_space<semaphore_mem>>) src(%dma_wait3A_301 : memref<8192x1024xf32, #tpu.memory_space<hbm>>) dst(%dma_wait3A_297 : memref<8x1024xf32, #tpu.memory_space<vmem>>)
      %mul3A_302 = arith.constant 8 : i32
      %mul3A_303 = arith.muli %add3A_282, %mul3A_302 : i32
      %add3A_304 = arith.addi %mul3A_2, %mul3A_303 : i32
      %multiple_of3A_305 = tpu.assume_multiple %add3A_304, 8 : i32
      %dma_start3A_306 = arith.constant 2 : i32
      %dma_start3A_307 = arith.constant 0 : i32
      %dma_start3A_308 = arith.constant 0 : i32
      %dma_start3A_309 = tpu.memref_slice %arg6[%dma_start3A_306, %dma_start3A_307, %dma_start3A_308] : memref<8x8x1024xf32, #tpu.memory_space<vmem>> -> memref<1x8x1024xf32, #tpu.memory_space<vmem>>
      %dma_start3A_310 = tpu.memref_squeeze %dma_start3A_309 : memref<1x8x1024xf32, #tpu.memory_space<vmem>> -> memref<8x1024xf32, #tpu.memory_space<vmem>>
      %dma_start3A_311 = arith.constant 0 : i32
      %dma_start3A_312 = tpu.memref_slice %arg4[%multiple_of3A_305, %dma_start3A_311] : memref<32768x1024xf32, #tpu.memory_space<hbm>> -> memref<8x1024xf32, #tpu.memory_space<hbm>>
      %dma_start3A_313 = arith.constant 0 : i32
      %dma_start3A_314 = tpu.memref_slice %arg4[%multiple_of3A_305, %dma_start3A_313] : memref<32768x1024xf32, #tpu.memory_space<hbm>> -> memref<8x1024xf32, #tpu.memory_space<hbm>>
      %dma_start3A_315 = arith.constant 0 : i32
      %dma_start3A_316 = arith.constant 0 : i32
      %dma_start3A_317 = tpu.memref_slice %arg6[%dma_start3A_306, %dma_start3A_315, %dma_start3A_316] : memref<8x8x1024xf32, #tpu.memory_space<vmem>> -> memref<1x8x1024xf32, #tpu.memory_space<vmem>>
      %dma_start3A_318 = tpu.memref_squeeze %dma_start3A_317 : memref<1x8x1024xf32, #tpu.memory_space<vmem>> -> memref<8x1024xf32, #tpu.memory_space<vmem>>
      tpu.enqueue_dma source(%dma_start3A_318 : memref<8x1024xf32, #tpu.memory_space<vmem>>) target(%dma_start3A_314 : memref<8x1024xf32, #tpu.memory_space<hbm>>) target_semaphore(%arg17 : memref<!tpu.dma_semaphore, #tpu.memory_space<semaphore_mem>>)
      %mul3A_319 = arith.constant 8 : i32
      %mul3A_320 = arith.muli %scan3A_200, %mul3A_319 : i32
      %add3A_321 = arith.constant 3 : i32
      %add3A_322 = arith.addi %mul3A_320, %add3A_321 : i32
      %add3A_323 = arith.constant 6 : i32
      %add3A_324 = arith.addi %add3A_322, %add3A_323 : i32
      %lt3A_325 = arith.constant 128 : i32
      %lt3A_326 = arith.cmpi slt, %add3A_324, %lt3A_325 : i32
      %convert_element_type3A_327 = arith.extui %lt3A_326 : i1 to i32
      %cond3A_328 = arith.constant 0 : i32
      %cond3A_329 = arith.cmpi ne, %convert_element_type3A_327, %cond3A_328 : i32
      scf.if %cond3A_329 {
        %add3A_520 = arith.constant 6 : i32
        %add3A_521 = arith.addi %add3A_322, %add3A_520 : i32
        %ge3A = arith.constant 8 : i32
        %ge3A_522 = arith.cmpi sge, %add3A_521, %ge3A : i32
        %convert_element_type3A_523 = arith.extui %ge3A_522 : i1 to i32
        %cond3A_524 = arith.constant 0 : i32
        %cond3A_525 = arith.cmpi ne, %convert_element_type3A_523, %cond3A_524 : i32
        scf.if %cond3A_525 {
          %add3A_540 = arith.constant 6 : i32
          %add3A_541 = arith.addi %add3A_322, %add3A_540 : i32
          %sub3A = arith.constant 8 : i32
          %sub3A_542 = arith.subi %add3A_541, %sub3A : i32
          %mul3A_543 = arith.constant 8 : i32
          %mul3A_544 = arith.muli %sub3A_542, %mul3A_543 : i32
          %add3A_545 = arith.addi %mul3A_2, %mul3A_544 : i32
          %multiple_of3A_546 = tpu.assume_multiple %add3A_545, 8 : i32
          %dma_wait3A_547 = arith.constant 1 : i32
          %dma_wait3A_548 = arith.constant 0 : i32
          %dma_wait3A_549 = arith.constant 0 : i32
          %dma_wait3A_550 = tpu.memref_slice %arg6[%dma_wait3A_547, %dma_wait3A_548, %dma_wait3A_549] : memref<8x8x1024xf32, #tpu.memory_space<vmem>> -> memref<1x8x1024xf32, #tpu.memory_space<vmem>>
          %dma_wait3A_551 = tpu.memref_squeeze %dma_wait3A_550 : memref<1x8x1024xf32, #tpu.memory_space<vmem>> -> memref<8x1024xf32, #tpu.memory_space<vmem>>
          %dma_wait3A_552 = arith.constant 0 : i32
          %dma_wait3A_553 = tpu.memref_slice %arg4[%multiple_of3A_546, %dma_wait3A_552] : memref<32768x1024xf32, #tpu.memory_space<hbm>> -> memref<8x1024xf32, #tpu.memory_space<hbm>>
          %dma_wait3A_554 = arith.constant 0 : i32
          %dma_wait3A_555 = tpu.memref_slice %arg4[%multiple_of3A_546, %dma_wait3A_554] : memref<32768x1024xf32, #tpu.memory_space<hbm>> -> memref<8x1024xf32, #tpu.memory_space<hbm>>
          %dma_wait3A_556 = arith.constant 0 : i32
          %dma_wait3A_557 = arith.constant 0 : i32
          %dma_wait3A_558 = tpu.memref_slice %arg6[%dma_wait3A_547, %dma_wait3A_556, %dma_wait3A_557] : memref<8x8x1024xf32, #tpu.memory_space<vmem>> -> memref<1x8x1024xf32, #tpu.memory_space<vmem>>
          %dma_wait3A_559 = tpu.memref_squeeze %dma_wait3A_558 : memref<1x8x1024xf32, #tpu.memory_space<vmem>> -> memref<8x1024xf32, #tpu.memory_space<vmem>>
          tpu.wait_dma2 semaphore(%arg16 : memref<!tpu.dma_semaphore, #tpu.memory_space<semaphore_mem>>) src(%dma_wait3A_559 : memref<8x1024xf32, #tpu.memory_space<vmem>>) dst(%dma_wait3A_555 : memref<8x1024xf32, #tpu.memory_space<hbm>>)
        } else {
        }
        %add3A_526 = arith.constant 6 : i32
        %add3A_527 = arith.addi %add3A_322, %add3A_526 : i32
        %mul3A_528 = arith.constant 8 : i32
        %mul3A_529 = arith.muli %add3A_527, %mul3A_528 : i32
        %multiple_of3A_530 = tpu.assume_multiple %mul3A_529, 8 : i32
        %dma_start3A_531 = arith.constant 1 : i32
        %dma_start3A_532 = arith.constant 0 : i32
        %dma_start3A_533 = arith.constant 0 : i32
        %dma_start3A_534 = tpu.memref_slice %arg6[%dma_start3A_531, %dma_start3A_532, %dma_start3A_533] : memref<8x8x1024xf32, #tpu.memory_space<vmem>> -> memref<1x8x1024xf32, #tpu.memory_space<vmem>>
        %dma_start3A_535 = tpu.memref_squeeze %dma_start3A_534 : memref<1x8x1024xf32, #tpu.memory_space<vmem>> -> memref<8x1024xf32, #tpu.memory_space<vmem>>
        %dma_start3A_536 = tpu.memref_slice %arg5[%multiple_of3A_530] : memref<1024xi32, #tpu.memory_space<vmem>> -> memref<8xi32, #tpu.memory_space<vmem>>
        %dma_start3A_537 = arith.constant 0 : i32
        %dma_start3A_538 = arith.constant 0 : i32
        %dma_start3A_539 = tpu.memref_slice %arg3[%dma_start3A_537, %dma_start3A_538] : memref<8192x1024xf32, #tpu.memory_space<hbm>> -> memref<8192x1024xf32, #tpu.memory_space<hbm>>
        tpu.enqueue_indirect_dma source(%dma_start3A_539 : memref<8192x1024xf32, #tpu.memory_space<hbm>>) target(%dma_start3A_535 : memref<8x1024xf32, #tpu.memory_space<vmem>>) offsets(%dma_start3A_536 : memref<8xi32, #tpu.memory_space<vmem>>) semaphore(%arg8 : memref<!tpu.dma_semaphore, #tpu.memory_space<semaphore_mem>>)
      } else {
      }
      %mul3A_330 = arith.constant 8 : i32
      %mul3A_331 = arith.muli %add3A_322, %mul3A_330 : i32
      %multiple_of3A_332 = tpu.assume_multiple %mul3A_331, 8 : i32
      %dma_wait3A_333 = arith.constant 3 : i32
      %dma_wait3A_334 = arith.constant 0 : i32
      %dma_wait3A_335 = arith.constant 0 : i32
      %dma_wait3A_336 = tpu.memref_slice %arg6[%dma_wait3A_333, %dma_wait3A_334, %dma_wait3A_335] : memref<8x8x1024xf32, #tpu.memory_space<vmem>> -> memref<1x8x1024xf32, #tpu.memory_space<vmem>>
      %dma_wait3A_337 = tpu.memref_squeeze %dma_wait3A_336 : memref<1x8x1024xf32, #tpu.memory_space<vmem>> -> memref<8x1024xf32, #tpu.memory_space<vmem>>
      %dma_wait3A_338 = tpu.memref_slice %arg5[%multiple_of3A_332] : memref<1024xi32, #tpu.memory_space<vmem>> -> memref<8xi32, #tpu.memory_space<vmem>>
      %dma_wait3A_339 = arith.constant 0 : i32
      %dma_wait3A_340 = arith.constant 0 : i32
      %dma_wait3A_341 = tpu.memref_slice %arg3[%dma_wait3A_339, %dma_wait3A_340] : memref<8192x1024xf32, #tpu.memory_space<hbm>> -> memref<8192x1024xf32, #tpu.memory_space<hbm>>
      tpu.wait_indirect_dma semaphore(%arg10 : memref<!tpu.dma_semaphore, #tpu.memory_space<semaphore_mem>>) src(%dma_wait3A_341 : memref<8192x1024xf32, #tpu.memory_space<hbm>>) dst(%dma_wait3A_337 : memref<8x1024xf32, #tpu.memory_space<vmem>>)
      %mul3A_342 = arith.constant 8 : i32
      %mul3A_343 = arith.muli %add3A_322, %mul3A_342 : i32
      %add3A_344 = arith.addi %mul3A_2, %mul3A_343 : i32
      %multiple_of3A_345 = tpu.assume_multiple %add3A_344, 8 : i32
      %dma_start3A_346 = arith.constant 3 : i32
      %dma_start3A_347 = arith.constant 0 : i32
      %dma_start3A_348 = arith.constant 0 : i32
      %dma_start3A_349 = tpu.memref_slice %arg6[%dma_start3A_346, %dma_start3A_347, %dma_start3A_348] : memref<8x8x1024xf32, #tpu.memory_space<vmem>> -> memref<1x8x1024xf32, #tpu.memory_space<vmem>>
      %dma_start3A_350 = tpu.memref_squeeze %dma_start3A_349 : memref<1x8x1024xf32, #tpu.memory_space<vmem>> -> memref<8x1024xf32, #tpu.memory_space<vmem>>
      %dma_start3A_351 = arith.constant 0 : i32
      %dma_start3A_352 = tpu.memref_slice %arg4[%multiple_of3A_345, %dma_start3A_351] : memref<32768x1024xf32, #tpu.memory_space<hbm>> -> memref<8x1024xf32, #tpu.memory_space<hbm>>
      %dma_start3A_353 = arith.constant 0 : i32
      %dma_start3A_354 = tpu.memref_slice %arg4[%multiple_of3A_345, %dma_start3A_353] : memref<32768x1024xf32, #tpu.memory_space<hbm>> -> memref<8x1024xf32, #tpu.memory_space<hbm>>
      %dma_start3A_355 = arith.constant 0 : i32
      %dma_start3A_356 = arith.constant 0 : i32
      %dma_start3A_357 = tpu.memref_slice %arg6[%dma_start3A_346, %dma_start3A_355, %dma_start3A_356] : memref<8x8x1024xf32, #tpu.memory_space<vmem>> -> memref<1x8x1024xf32, #tpu.memory_space<vmem>>
      %dma_start3A_358 = tpu.memref_squeeze %dma_start3A_357 : memref<1x8x1024xf32, #tpu.memory_space<vmem>> -> memref<8x1024xf32, #tpu.memory_space<vmem>>
      tpu.enqueue_dma source(%dma_start3A_358 : memref<8x1024xf32, #tpu.memory_space<vmem>>) target(%dma_start3A_354 : memref<8x1024xf32, #tpu.memory_space<hbm>>) target_semaphore(%arg18 : memref<!tpu.dma_semaphore, #tpu.memory_space<semaphore_mem>>)
      %mul3A_359 = arith.constant 8 : i32
      %mul3A_360 = arith.muli %scan3A_200, %mul3A_359 : i32
      %add3A_361 = arith.constant 4 : i32
      %add3A_362 = arith.addi %mul3A_360, %add3A_361 : i32
      %add3A_363 = arith.constant 6 : i32
      %add3A_364 = arith.addi %add3A_362, %add3A_363 : i32
      %lt3A_365 = arith.constant 128 : i32
      %lt3A_366 = arith.cmpi slt, %add3A_364, %lt3A_365 : i32
      %convert_element_type3A_367 = arith.extui %lt3A_366 : i1 to i32
      %cond3A_368 = arith.constant 0 : i32
      %cond3A_369 = arith.cmpi ne, %convert_element_type3A_367, %cond3A_368 : i32
      scf.if %cond3A_369 {
        %add3A_520 = arith.constant 6 : i32
        %add3A_521 = arith.addi %add3A_362, %add3A_520 : i32
        %ge3A = arith.constant 8 : i32
        %ge3A_522 = arith.cmpi sge, %add3A_521, %ge3A : i32
        %convert_element_type3A_523 = arith.extui %ge3A_522 : i1 to i32
        %cond3A_524 = arith.constant 0 : i32
        %cond3A_525 = arith.cmpi ne, %convert_element_type3A_523, %cond3A_524 : i32
        scf.if %cond3A_525 {
          %add3A_540 = arith.constant 6 : i32
          %add3A_541 = arith.addi %add3A_362, %add3A_540 : i32
          %sub3A = arith.constant 8 : i32
          %sub3A_542 = arith.subi %add3A_541, %sub3A : i32
          %mul3A_543 = arith.constant 8 : i32
          %mul3A_544 = arith.muli %sub3A_542, %mul3A_543 : i32
          %add3A_545 = arith.addi %mul3A_2, %mul3A_544 : i32
          %multiple_of3A_546 = tpu.assume_multiple %add3A_545, 8 : i32
          %dma_wait3A_547 = arith.constant 2 : i32
          %dma_wait3A_548 = arith.constant 0 : i32
          %dma_wait3A_549 = arith.constant 0 : i32
          %dma_wait3A_550 = tpu.memref_slice %arg6[%dma_wait3A_547, %dma_wait3A_548, %dma_wait3A_549] : memref<8x8x1024xf32, #tpu.memory_space<vmem>> -> memref<1x8x1024xf32, #tpu.memory_space<vmem>>
          %dma_wait3A_551 = tpu.memref_squeeze %dma_wait3A_550 : memref<1x8x1024xf32, #tpu.memory_space<vmem>> -> memref<8x1024xf32, #tpu.memory_space<vmem>>
          %dma_wait3A_552 = arith.constant 0 : i32
          %dma_wait3A_553 = tpu.memref_slice %arg4[%multiple_of3A_546, %dma_wait3A_552] : memref<32768x1024xf32, #tpu.memory_space<hbm>> -> memref<8x1024xf32, #tpu.memory_space<hbm>>
          %dma_wait3A_554 = arith.constant 0 : i32
          %dma_wait3A_555 = tpu.memref_slice %arg4[%multiple_of3A_546, %dma_wait3A_554] : memref<32768x1024xf32, #tpu.memory_space<hbm>> -> memref<8x1024xf32, #tpu.memory_space<hbm>>
          %dma_wait3A_556 = arith.constant 0 : i32
          %dma_wait3A_557 = arith.constant 0 : i32
          %dma_wait3A_558 = tpu.memref_slice %arg6[%dma_wait3A_547, %dma_wait3A_556, %dma_wait3A_557] : memref<8x8x1024xf32, #tpu.memory_space<vmem>> -> memref<1x8x1024xf32, #tpu.memory_space<vmem>>
          %dma_wait3A_559 = tpu.memref_squeeze %dma_wait3A_558 : memref<1x8x1024xf32, #tpu.memory_space<vmem>> -> memref<8x1024xf32, #tpu.memory_space<vmem>>
          tpu.wait_dma2 semaphore(%arg17 : memref<!tpu.dma_semaphore, #tpu.memory_space<semaphore_mem>>) src(%dma_wait3A_559 : memref<8x1024xf32, #tpu.memory_space<vmem>>) dst(%dma_wait3A_555 : memref<8x1024xf32, #tpu.memory_space<hbm>>)
        } else {
        }
        %add3A_526 = arith.constant 6 : i32
        %add3A_527 = arith.addi %add3A_362, %add3A_526 : i32
        %mul3A_528 = arith.constant 8 : i32
        %mul3A_529 = arith.muli %add3A_527, %mul3A_528 : i32
        %multiple_of3A_530 = tpu.assume_multiple %mul3A_529, 8 : i32
        %dma_start3A_531 = arith.constant 2 : i32
        %dma_start3A_532 = arith.constant 0 : i32
        %dma_start3A_533 = arith.constant 0 : i32
        %dma_start3A_534 = tpu.memref_slice %arg6[%dma_start3A_531, %dma_start3A_532, %dma_start3A_533] : memref<8x8x1024xf32, #tpu.memory_space<vmem>> -> memref<1x8x1024xf32, #tpu.memory_space<vmem>>
        %dma_start3A_535 = tpu.memref_squeeze %dma_start3A_534 : memref<1x8x1024xf32, #tpu.memory_space<vmem>> -> memref<8x1024xf32, #tpu.memory_space<vmem>>
        %dma_start3A_536 = tpu.memref_slice %arg5[%multiple_of3A_530] : memref<1024xi32, #tpu.memory_space<vmem>> -> memref<8xi32, #tpu.memory_space<vmem>>
        %dma_start3A_537 = arith.constant 0 : i32
        %dma_start3A_538 = arith.constant 0 : i32
        %dma_start3A_539 = tpu.memref_slice %arg3[%dma_start3A_537, %dma_start3A_538] : memref<8192x1024xf32, #tpu.memory_space<hbm>> -> memref<8192x1024xf32, #tpu.memory_space<hbm>>
        tpu.enqueue_indirect_dma source(%dma_start3A_539 : memref<8192x1024xf32, #tpu.memory_space<hbm>>) target(%dma_start3A_535 : memref<8x1024xf32, #tpu.memory_space<vmem>>) offsets(%dma_start3A_536 : memref<8xi32, #tpu.memory_space<vmem>>) semaphore(%arg9 : memref<!tpu.dma_semaphore, #tpu.memory_space<semaphore_mem>>)
      } else {
      }
      %mul3A_370 = arith.constant 8 : i32
      %mul3A_371 = arith.muli %add3A_362, %mul3A_370 : i32
      %multiple_of3A_372 = tpu.assume_multiple %mul3A_371, 8 : i32
      %dma_wait3A_373 = arith.constant 4 : i32
      %dma_wait3A_374 = arith.constant 0 : i32
      %dma_wait3A_375 = arith.constant 0 : i32
      %dma_wait3A_376 = tpu.memref_slice %arg6[%dma_wait3A_373, %dma_wait3A_374, %dma_wait3A_375] : memref<8x8x1024xf32, #tpu.memory_space<vmem>> -> memref<1x8x1024xf32, #tpu.memory_space<vmem>>
      %dma_wait3A_377 = tpu.memref_squeeze %dma_wait3A_376 : memref<1x8x1024xf32, #tpu.memory_space<vmem>> -> memref<8x1024xf32, #tpu.memory_space<vmem>>
      %dma_wait3A_378 = tpu.memref_slice %arg5[%multiple_of3A_372] : memref<1024xi32, #tpu.memory_space<vmem>> -> memref<8xi32, #tpu.memory_space<vmem>>
      %dma_wait3A_379 = arith.constant 0 : i32
      %dma_wait3A_380 = arith.constant 0 : i32
      %dma_wait3A_381 = tpu.memref_slice %arg3[%dma_wait3A_379, %dma_wait3A_380] : memref<8192x1024xf32, #tpu.memory_space<hbm>> -> memref<8192x1024xf32, #tpu.memory_space<hbm>>
      tpu.wait_indirect_dma semaphore(%arg11 : memref<!tpu.dma_semaphore, #tpu.memory_space<semaphore_mem>>) src(%dma_wait3A_381 : memref<8192x1024xf32, #tpu.memory_space<hbm>>) dst(%dma_wait3A_377 : memref<8x1024xf32, #tpu.memory_space<vmem>>)
      %mul3A_382 = arith.constant 8 : i32
      %mul3A_383 = arith.muli %add3A_362, %mul3A_382 : i32
      %add3A_384 = arith.addi %mul3A_2, %mul3A_383 : i32
      %multiple_of3A_385 = tpu.assume_multiple %add3A_384, 8 : i32
      %dma_start3A_386 = arith.constant 4 : i32
      %dma_start3A_387 = arith.constant 0 : i32
      %dma_start3A_388 = arith.constant 0 : i32
      %dma_start3A_389 = tpu.memref_slice %arg6[%dma_start3A_386, %dma_start3A_387, %dma_start3A_388] : memref<8x8x1024xf32, #tpu.memory_space<vmem>> -> memref<1x8x1024xf32, #tpu.memory_space<vmem>>
      %dma_start3A_390 = tpu.memref_squeeze %dma_start3A_389 : memref<1x8x1024xf32, #tpu.memory_space<vmem>> -> memref<8x1024xf32, #tpu.memory_space<vmem>>
      %dma_start3A_391 = arith.constant 0 : i32
      %dma_start3A_392 = tpu.memref_slice %arg4[%multiple_of3A_385, %dma_start3A_391] : memref<32768x1024xf32, #tpu.memory_space<hbm>> -> memref<8x1024xf32, #tpu.memory_space<hbm>>
      %dma_start3A_393 = arith.constant 0 : i32
      %dma_start3A_394 = tpu.memref_slice %arg4[%multiple_of3A_385, %dma_start3A_393] : memref<32768x1024xf32, #tpu.memory_space<hbm>> -> memref<8x1024xf32, #tpu.memory_space<hbm>>
      %dma_start3A_395 = arith.constant 0 : i32
      %dma_start3A_396 = arith.constant 0 : i32
      %dma_start3A_397 = tpu.memref_slice %arg6[%dma_start3A_386, %dma_start3A_395, %dma_start3A_396] : memref<8x8x1024xf32, #tpu.memory_space<vmem>> -> memref<1x8x1024xf32, #tpu.memory_space<vmem>>
      %dma_start3A_398 = tpu.memref_squeeze %dma_start3A_397 : memref<1x8x1024xf32, #tpu.memory_space<vmem>> -> memref<8x1024xf32, #tpu.memory_space<vmem>>
      tpu.enqueue_dma source(%dma_start3A_398 : memref<8x1024xf32, #tpu.memory_space<vmem>>) target(%dma_start3A_394 : memref<8x1024xf32, #tpu.memory_space<hbm>>) target_semaphore(%arg19 : memref<!tpu.dma_semaphore, #tpu.memory_space<semaphore_mem>>)
      %mul3A_399 = arith.constant 8 : i32
      %mul3A_400 = arith.muli %scan3A_200, %mul3A_399 : i32
      %add3A_401 = arith.constant 5 : i32
      %add3A_402 = arith.addi %mul3A_400, %add3A_401 : i32
      %add3A_403 = arith.constant 6 : i32
      %add3A_404 = arith.addi %add3A_402, %add3A_403 : i32
      %lt3A_405 = arith.constant 128 : i32
      %lt3A_406 = arith.cmpi slt, %add3A_404, %lt3A_405 : i32
      %convert_element_type3A_407 = arith.extui %lt3A_406 : i1 to i32
      %cond3A_408 = arith.constant 0 : i32
      %cond3A_409 = arith.cmpi ne, %convert_element_type3A_407, %cond3A_408 : i32
      scf.if %cond3A_409 {
        %add3A_520 = arith.constant 6 : i32
        %add3A_521 = arith.addi %add3A_402, %add3A_520 : i32
        %ge3A = arith.constant 8 : i32
        %ge3A_522 = arith.cmpi sge, %add3A_521, %ge3A : i32
        %convert_element_type3A_523 = arith.extui %ge3A_522 : i1 to i32
        %cond3A_524 = arith.constant 0 : i32
        %cond3A_525 = arith.cmpi ne, %convert_element_type3A_523, %cond3A_524 : i32
        scf.if %cond3A_525 {
          %add3A_540 = arith.constant 6 : i32
          %add3A_541 = arith.addi %add3A_402, %add3A_540 : i32
          %sub3A = arith.constant 8 : i32
          %sub3A_542 = arith.subi %add3A_541, %sub3A : i32
          %mul3A_543 = arith.constant 8 : i32
          %mul3A_544 = arith.muli %sub3A_542, %mul3A_543 : i32
          %add3A_545 = arith.addi %mul3A_2, %mul3A_544 : i32
          %multiple_of3A_546 = tpu.assume_multiple %add3A_545, 8 : i32
          %dma_wait3A_547 = arith.constant 3 : i32
          %dma_wait3A_548 = arith.constant 0 : i32
          %dma_wait3A_549 = arith.constant 0 : i32
          %dma_wait3A_550 = tpu.memref_slice %arg6[%dma_wait3A_547, %dma_wait3A_548, %dma_wait3A_549] : memref<8x8x1024xf32, #tpu.memory_space<vmem>> -> memref<1x8x1024xf32, #tpu.memory_space<vmem>>
          %dma_wait3A_551 = tpu.memref_squeeze %dma_wait3A_550 : memref<1x8x1024xf32, #tpu.memory_space<vmem>> -> memref<8x1024xf32, #tpu.memory_space<vmem>>
          %dma_wait3A_552 = arith.constant 0 : i32
          %dma_wait3A_553 = tpu.memref_slice %arg4[%multiple_of3A_546, %dma_wait3A_552] : memref<32768x1024xf32, #tpu.memory_space<hbm>> -> memref<8x1024xf32, #tpu.memory_space<hbm>>
          %dma_wait3A_554 = arith.constant 0 : i32
          %dma_wait3A_555 = tpu.memref_slice %arg4[%multiple_of3A_546, %dma_wait3A_554] : memref<32768x1024xf32, #tpu.memory_space<hbm>> -> memref<8x1024xf32, #tpu.memory_space<hbm>>
          %dma_wait3A_556 = arith.constant 0 : i32
          %dma_wait3A_557 = arith.constant 0 : i32
          %dma_wait3A_558 = tpu.memref_slice %arg6[%dma_wait3A_547, %dma_wait3A_556, %dma_wait3A_557] : memref<8x8x1024xf32, #tpu.memory_space<vmem>> -> memref<1x8x1024xf32, #tpu.memory_space<vmem>>
          %dma_wait3A_559 = tpu.memref_squeeze %dma_wait3A_558 : memref<1x8x1024xf32, #tpu.memory_space<vmem>> -> memref<8x1024xf32, #tpu.memory_space<vmem>>
          tpu.wait_dma2 semaphore(%arg18 : memref<!tpu.dma_semaphore, #tpu.memory_space<semaphore_mem>>) src(%dma_wait3A_559 : memref<8x1024xf32, #tpu.memory_space<vmem>>) dst(%dma_wait3A_555 : memref<8x1024xf32, #tpu.memory_space<hbm>>)
        } else {
        }
        %add3A_526 = arith.constant 6 : i32
        %add3A_527 = arith.addi %add3A_402, %add3A_526 : i32
        %mul3A_528 = arith.constant 8 : i32
        %mul3A_529 = arith.muli %add3A_527, %mul3A_528 : i32
        %multiple_of3A_530 = tpu.assume_multiple %mul3A_529, 8 : i32
        %dma_start3A_531 = arith.constant 3 : i32
        %dma_start3A_532 = arith.constant 0 : i32
        %dma_start3A_533 = arith.constant 0 : i32
        %dma_start3A_534 = tpu.memref_slice %arg6[%dma_start3A_531, %dma_start3A_532, %dma_start3A_533] : memref<8x8x1024xf32, #tpu.memory_space<vmem>> -> memref<1x8x1024xf32, #tpu.memory_space<vmem>>
        %dma_start3A_535 = tpu.memref_squeeze %dma_start3A_534 : memref<1x8x1024xf32, #tpu.memory_space<vmem>> -> memref<8x1024xf32, #tpu.memory_space<vmem>>
        %dma_start3A_536 = tpu.memref_slice %arg5[%multiple_of3A_530] : memref<1024xi32, #tpu.memory_space<vmem>> -> memref<8xi32, #tpu.memory_space<vmem>>
        %dma_start3A_537 = arith.constant 0 : i32
        %dma_start3A_538 = arith.constant 0 : i32
        %dma_start3A_539 = tpu.memref_slice %arg3[%dma_start3A_537, %dma_start3A_538] : memref<8192x1024xf32, #tpu.memory_space<hbm>> -> memref<8192x1024xf32, #tpu.memory_space<hbm>>
        tpu.enqueue_indirect_dma source(%dma_start3A_539 : memref<8192x1024xf32, #tpu.memory_space<hbm>>) target(%dma_start3A_535 : memref<8x1024xf32, #tpu.memory_space<vmem>>) offsets(%dma_start3A_536 : memref<8xi32, #tpu.memory_space<vmem>>) semaphore(%arg10 : memref<!tpu.dma_semaphore, #tpu.memory_space<semaphore_mem>>)
      } else {
      }
      %mul3A_410 = arith.constant 8 : i32
      %mul3A_411 = arith.muli %add3A_402, %mul3A_410 : i32
      %multiple_of3A_412 = tpu.assume_multiple %mul3A_411, 8 : i32
      %dma_wait3A_413 = arith.constant 5 : i32
      %dma_wait3A_414 = arith.constant 0 : i32
      %dma_wait3A_415 = arith.constant 0 : i32
      %dma_wait3A_416 = tpu.memref_slice %arg6[%dma_wait3A_413, %dma_wait3A_414, %dma_wait3A_415] : memref<8x8x1024xf32, #tpu.memory_space<vmem>> -> memref<1x8x1024xf32, #tpu.memory_space<vmem>>
      %dma_wait3A_417 = tpu.memref_squeeze %dma_wait3A_416 : memref<1x8x1024xf32, #tpu.memory_space<vmem>> -> memref<8x1024xf32, #tpu.memory_space<vmem>>
      %dma_wait3A_418 = tpu.memref_slice %arg5[%multiple_of3A_412] : memref<1024xi32, #tpu.memory_space<vmem>> -> memref<8xi32, #tpu.memory_space<vmem>>
      %dma_wait3A_419 = arith.constant 0 : i32
      %dma_wait3A_420 = arith.constant 0 : i32
      %dma_wait3A_421 = tpu.memref_slice %arg3[%dma_wait3A_419, %dma_wait3A_420] : memref<8192x1024xf32, #tpu.memory_space<hbm>> -> memref<8192x1024xf32, #tpu.memory_space<hbm>>
      tpu.wait_indirect_dma semaphore(%arg12 : memref<!tpu.dma_semaphore, #tpu.memory_space<semaphore_mem>>) src(%dma_wait3A_421 : memref<8192x1024xf32, #tpu.memory_space<hbm>>) dst(%dma_wait3A_417 : memref<8x1024xf32, #tpu.memory_space<vmem>>)
      %mul3A_422 = arith.constant 8 : i32
      %mul3A_423 = arith.muli %add3A_402, %mul3A_422 : i32
      %add3A_424 = arith.addi %mul3A_2, %mul3A_423 : i32
      %multiple_of3A_425 = tpu.assume_multiple %add3A_424, 8 : i32
      %dma_start3A_426 = arith.constant 5 : i32
      %dma_start3A_427 = arith.constant 0 : i32
      %dma_start3A_428 = arith.constant 0 : i32
      %dma_start3A_429 = tpu.memref_slice %arg6[%dma_start3A_426, %dma_start3A_427, %dma_start3A_428] : memref<8x8x1024xf32, #tpu.memory_space<vmem>> -> memref<1x8x1024xf32, #tpu.memory_space<vmem>>
      %dma_start3A_430 = tpu.memref_squeeze %dma_start3A_429 : memref<1x8x1024xf32, #tpu.memory_space<vmem>> -> memref<8x1024xf32, #tpu.memory_space<vmem>>
      %dma_start3A_431 = arith.constant 0 : i32
      %dma_start3A_432 = tpu.memref_slice %arg4[%multiple_of3A_425, %dma_start3A_431] : memref<32768x1024xf32, #tpu.memory_space<hbm>> -> memref<8x1024xf32, #tpu.memory_space<hbm>>
      %dma_start3A_433 = arith.constant 0 : i32
      %dma_start3A_434 = tpu.memref_slice %arg4[%multiple_of3A_425, %dma_start3A_433] : memref<32768x1024xf32, #tpu.memory_space<hbm>> -> memref<8x1024xf32, #tpu.memory_space<hbm>>
      %dma_start3A_435 = arith.constant 0 : i32
      %dma_start3A_436 = arith.constant 0 : i32
      %dma_start3A_437 = tpu.memref_slice %arg6[%dma_start3A_426, %dma_start3A_435, %dma_start3A_436] : memref<8x8x1024xf32, #tpu.memory_space<vmem>> -> memref<1x8x1024xf32, #tpu.memory_space<vmem>>
      %dma_start3A_438 = tpu.memref_squeeze %dma_start3A_437 : memref<1x8x1024xf32, #tpu.memory_space<vmem>> -> memref<8x1024xf32, #tpu.memory_space<vmem>>
      tpu.enqueue_dma source(%dma_start3A_438 : memref<8x1024xf32, #tpu.memory_space<vmem>>) target(%dma_start3A_434 : memref<8x1024xf32, #tpu.memory_space<hbm>>) target_semaphore(%arg20 : memref<!tpu.dma_semaphore, #tpu.memory_space<semaphore_mem>>)
      %mul3A_439 = arith.constant 8 : i32
      %mul3A_440 = arith.muli %scan3A_200, %mul3A_439 : i32
      %add3A_441 = arith.constant 6 : i32
      %add3A_442 = arith.addi %mul3A_440, %add3A_441 : i32
      %add3A_443 = arith.constant 6 : i32
      %add3A_444 = arith.addi %add3A_442, %add3A_443 : i32
      %lt3A_445 = arith.constant 128 : i32
      %lt3A_446 = arith.cmpi slt, %add3A_444, %lt3A_445 : i32
      %convert_element_type3A_447 = arith.extui %lt3A_446 : i1 to i32
      %cond3A_448 = arith.constant 0 : i32
      %cond3A_449 = arith.cmpi ne, %convert_element_type3A_447, %cond3A_448 : i32
      scf.if %cond3A_449 {
        %add3A_520 = arith.constant 6 : i32
        %add3A_521 = arith.addi %add3A_442, %add3A_520 : i32
        %ge3A = arith.constant 8 : i32
        %ge3A_522 = arith.cmpi sge, %add3A_521, %ge3A : i32
        %convert_element_type3A_523 = arith.extui %ge3A_522 : i1 to i32
        %cond3A_524 = arith.constant 0 : i32
        %cond3A_525 = arith.cmpi ne, %convert_element_type3A_523, %cond3A_524 : i32
        scf.if %cond3A_525 {
          %add3A_540 = arith.constant 6 : i32
          %add3A_541 = arith.addi %add3A_442, %add3A_540 : i32
          %sub3A = arith.constant 8 : i32
          %sub3A_542 = arith.subi %add3A_541, %sub3A : i32
          %mul3A_543 = arith.constant 8 : i32
          %mul3A_544 = arith.muli %sub3A_542, %mul3A_543 : i32
          %add3A_545 = arith.addi %mul3A_2, %mul3A_544 : i32
          %multiple_of3A_546 = tpu.assume_multiple %add3A_545, 8 : i32
          %dma_wait3A_547 = arith.constant 4 : i32
          %dma_wait3A_548 = arith.constant 0 : i32
          %dma_wait3A_549 = arith.constant 0 : i32
          %dma_wait3A_550 = tpu.memref_slice %arg6[%dma_wait3A_547, %dma_wait3A_548, %dma_wait3A_549] : memref<8x8x1024xf32, #tpu.memory_space<vmem>> -> memref<1x8x1024xf32, #tpu.memory_space<vmem>>
          %dma_wait3A_551 = tpu.memref_squeeze %dma_wait3A_550 : memref<1x8x1024xf32, #tpu.memory_space<vmem>> -> memref<8x1024xf32, #tpu.memory_space<vmem>>
          %dma_wait3A_552 = arith.constant 0 : i32
          %dma_wait3A_553 = tpu.memref_slice %arg4[%multiple_of3A_546, %dma_wait3A_552] : memref<32768x1024xf32, #tpu.memory_space<hbm>> -> memref<8x1024xf32, #tpu.memory_space<hbm>>
          %dma_wait3A_554 = arith.constant 0 : i32
          %dma_wait3A_555 = tpu.memref_slice %arg4[%multiple_of3A_546, %dma_wait3A_554] : memref<32768x1024xf32, #tpu.memory_space<hbm>> -> memref<8x1024xf32, #tpu.memory_space<hbm>>
          %dma_wait3A_556 = arith.constant 0 : i32
          %dma_wait3A_557 = arith.constant 0 : i32
          %dma_wait3A_558 = tpu.memref_slice %arg6[%dma_wait3A_547, %dma_wait3A_556, %dma_wait3A_557] : memref<8x8x1024xf32, #tpu.memory_space<vmem>> -> memref<1x8x1024xf32, #tpu.memory_space<vmem>>
          %dma_wait3A_559 = tpu.memref_squeeze %dma_wait3A_558 : memref<1x8x1024xf32, #tpu.memory_space<vmem>> -> memref<8x1024xf32, #tpu.memory_space<vmem>>
          tpu.wait_dma2 semaphore(%arg19 : memref<!tpu.dma_semaphore, #tpu.memory_space<semaphore_mem>>) src(%dma_wait3A_559 : memref<8x1024xf32, #tpu.memory_space<vmem>>) dst(%dma_wait3A_555 : memref<8x1024xf32, #tpu.memory_space<hbm>>)
        } else {
        }
        %add3A_526 = arith.constant 6 : i32
        %add3A_527 = arith.addi %add3A_442, %add3A_526 : i32
        %mul3A_528 = arith.constant 8 : i32
        %mul3A_529 = arith.muli %add3A_527, %mul3A_528 : i32
        %multiple_of3A_530 = tpu.assume_multiple %mul3A_529, 8 : i32
        %dma_start3A_531 = arith.constant 4 : i32
        %dma_start3A_532 = arith.constant 0 : i32
        %dma_start3A_533 = arith.constant 0 : i32
        %dma_start3A_534 = tpu.memref_slice %arg6[%dma_start3A_531, %dma_start3A_532, %dma_start3A_533] : memref<8x8x1024xf32, #tpu.memory_space<vmem>> -> memref<1x8x1024xf32, #tpu.memory_space<vmem>>
        %dma_start3A_535 = tpu.memref_squeeze %dma_start3A_534 : memref<1x8x1024xf32, #tpu.memory_space<vmem>> -> memref<8x1024xf32, #tpu.memory_space<vmem>>
        %dma_start3A_536 = tpu.memref_slice %arg5[%multiple_of3A_530] : memref<1024xi32, #tpu.memory_space<vmem>> -> memref<8xi32, #tpu.memory_space<vmem>>
        %dma_start3A_537 = arith.constant 0 : i32
        %dma_start3A_538 = arith.constant 0 : i32
        %dma_start3A_539 = tpu.memref_slice %arg3[%dma_start3A_537, %dma_start3A_538] : memref<8192x1024xf32, #tpu.memory_space<hbm>> -> memref<8192x1024xf32, #tpu.memory_space<hbm>>
        tpu.enqueue_indirect_dma source(%dma_start3A_539 : memref<8192x1024xf32, #tpu.memory_space<hbm>>) target(%dma_start3A_535 : memref<8x1024xf32, #tpu.memory_space<vmem>>) offsets(%dma_start3A_536 : memref<8xi32, #tpu.memory_space<vmem>>) semaphore(%arg11 : memref<!tpu.dma_semaphore, #tpu.memory_space<semaphore_mem>>)
      } else {
      }
      %mul3A_450 = arith.constant 8 : i32
      %mul3A_451 = arith.muli %add3A_442, %mul3A_450 : i32
      %multiple_of3A_452 = tpu.assume_multiple %mul3A_451, 8 : i32
      %dma_wait3A_453 = arith.constant 6 : i32
      %dma_wait3A_454 = arith.constant 0 : i32
      %dma_wait3A_455 = arith.constant 0 : i32
      %dma_wait3A_456 = tpu.memref_slice %arg6[%dma_wait3A_453, %dma_wait3A_454, %dma_wait3A_455] : memref<8x8x1024xf32, #tpu.memory_space<vmem>> -> memref<1x8x1024xf32, #tpu.memory_space<vmem>>
      %dma_wait3A_457 = tpu.memref_squeeze %dma_wait3A_456 : memref<1x8x1024xf32, #tpu.memory_space<vmem>> -> memref<8x1024xf32, #tpu.memory_space<vmem>>
      %dma_wait3A_458 = tpu.memref_slice %arg5[%multiple_of3A_452] : memref<1024xi32, #tpu.memory_space<vmem>> -> memref<8xi32, #tpu.memory_space<vmem>>
      %dma_wait3A_459 = arith.constant 0 : i32
      %dma_wait3A_460 = arith.constant 0 : i32
      %dma_wait3A_461 = tpu.memref_slice %arg3[%dma_wait3A_459, %dma_wait3A_460] : memref<8192x1024xf32, #tpu.memory_space<hbm>> -> memref<8192x1024xf32, #tpu.memory_space<hbm>>
      tpu.wait_indirect_dma semaphore(%arg13 : memref<!tpu.dma_semaphore, #tpu.memory_space<semaphore_mem>>) src(%dma_wait3A_461 : memref<8192x1024xf32, #tpu.memory_space<hbm>>) dst(%dma_wait3A_457 : memref<8x1024xf32, #tpu.memory_space<vmem>>)
      %mul3A_462 = arith.constant 8 : i32
      %mul3A_463 = arith.muli %add3A_442, %mul3A_462 : i32
      %add3A_464 = arith.addi %mul3A_2, %mul3A_463 : i32
      %multiple_of3A_465 = tpu.assume_multiple %add3A_464, 8 : i32
      %dma_start3A_466 = arith.constant 6 : i32
      %dma_start3A_467 = arith.constant 0 : i32
      %dma_start3A_468 = arith.constant 0 : i32
      %dma_start3A_469 = tpu.memref_slice %arg6[%dma_start3A_466, %dma_start3A_467, %dma_start3A_468] : memref<8x8x1024xf32, #tpu.memory_space<vmem>> -> memref<1x8x1024xf32, #tpu.memory_space<vmem>>
      %dma_start3A_470 = tpu.memref_squeeze %dma_start3A_469 : memref<1x8x1024xf32, #tpu.memory_space<vmem>> -> memref<8x1024xf32, #tpu.memory_space<vmem>>
      %dma_start3A_471 = arith.constant 0 : i32
      %dma_start3A_472 = tpu.memref_slice %arg4[%multiple_of3A_465, %dma_start3A_471] : memref<32768x1024xf32, #tpu.memory_space<hbm>> -> memref<8x1024xf32, #tpu.memory_space<hbm>>
      %dma_start3A_473 = arith.constant 0 : i32
      %dma_start3A_474 = tpu.memref_slice %arg4[%multiple_of3A_465, %dma_start3A_473] : memref<32768x1024xf32, #tpu.memory_space<hbm>> -> memref<8x1024xf32, #tpu.memory_space<hbm>>
      %dma_start3A_475 = arith.constant 0 : i32
      %dma_start3A_476 = arith.constant 0 : i32
      %dma_start3A_477 = tpu.memref_slice %arg6[%dma_start3A_466, %dma_start3A_475, %dma_start3A_476] : memref<8x8x1024xf32, #tpu.memory_space<vmem>> -> memref<1x8x1024xf32, #tpu.memory_space<vmem>>
      %dma_start3A_478 = tpu.memref_squeeze %dma_start3A_477 : memref<1x8x1024xf32, #tpu.memory_space<vmem>> -> memref<8x1024xf32, #tpu.memory_space<vmem>>
      tpu.enqueue_dma source(%dma_start3A_478 : memref<8x1024xf32, #tpu.memory_space<vmem>>) target(%dma_start3A_474 : memref<8x1024xf32, #tpu.memory_space<hbm>>) target_semaphore(%arg21 : memref<!tpu.dma_semaphore, #tpu.memory_space<semaphore_mem>>)
      %mul3A_479 = arith.constant 8 : i32
      %mul3A_480 = arith.muli %scan3A_200, %mul3A_479 : i32
      %add3A_481 = arith.constant 7 : i32
      %add3A_482 = arith.addi %mul3A_480, %add3A_481 : i32
      %add3A_483 = arith.constant 6 : i32
      %add3A_484 = arith.addi %add3A_482, %add3A_483 : i32
      %lt3A_485 = arith.constant 128 : i32
      %lt3A_486 = arith.cmpi slt, %add3A_484, %lt3A_485 : i32
      %convert_element_type3A_487 = arith.extui %lt3A_486 : i1 to i32
      %cond3A_488 = arith.constant 0 : i32
      %cond3A_489 = arith.cmpi ne, %convert_element_type3A_487, %cond3A_488 : i32
      scf.if %cond3A_489 {
        %add3A_520 = arith.constant 6 : i32
        %add3A_521 = arith.addi %add3A_482, %add3A_520 : i32
        %ge3A = arith.constant 8 : i32
        %ge3A_522 = arith.cmpi sge, %add3A_521, %ge3A : i32
        %convert_element_type3A_523 = arith.extui %ge3A_522 : i1 to i32
        %cond3A_524 = arith.constant 0 : i32
        %cond3A_525 = arith.cmpi ne, %convert_element_type3A_523, %cond3A_524 : i32
        scf.if %cond3A_525 {
          %add3A_540 = arith.constant 6 : i32
          %add3A_541 = arith.addi %add3A_482, %add3A_540 : i32
          %sub3A = arith.constant 8 : i32
          %sub3A_542 = arith.subi %add3A_541, %sub3A : i32
          %mul3A_543 = arith.constant 8 : i32
          %mul3A_544 = arith.muli %sub3A_542, %mul3A_543 : i32
          %add3A_545 = arith.addi %mul3A_2, %mul3A_544 : i32
          %multiple_of3A_546 = tpu.assume_multiple %add3A_545, 8 : i32
          %dma_wait3A_547 = arith.constant 5 : i32
          %dma_wait3A_548 = arith.constant 0 : i32
          %dma_wait3A_549 = arith.constant 0 : i32
          %dma_wait3A_550 = tpu.memref_slice %arg6[%dma_wait3A_547, %dma_wait3A_548, %dma_wait3A_549] : memref<8x8x1024xf32, #tpu.memory_space<vmem>> -> memref<1x8x1024xf32, #tpu.memory_space<vmem>>
          %dma_wait3A_551 = tpu.memref_squeeze %dma_wait3A_550 : memref<1x8x1024xf32, #tpu.memory_space<vmem>> -> memref<8x1024xf32, #tpu.memory_space<vmem>>
          %dma_wait3A_552 = arith.constant 0 : i32
          %dma_wait3A_553 = tpu.memref_slice %arg4[%multiple_of3A_546, %dma_wait3A_552] : memref<32768x1024xf32, #tpu.memory_space<hbm>> -> memref<8x1024xf32, #tpu.memory_space<hbm>>
          %dma_wait3A_554 = arith.constant 0 : i32
          %dma_wait3A_555 = tpu.memref_slice %arg4[%multiple_of3A_546, %dma_wait3A_554] : memref<32768x1024xf32, #tpu.memory_space<hbm>> -> memref<8x1024xf32, #tpu.memory_space<hbm>>
          %dma_wait3A_556 = arith.constant 0 : i32
          %dma_wait3A_557 = arith.constant 0 : i32
          %dma_wait3A_558 = tpu.memref_slice %arg6[%dma_wait3A_547, %dma_wait3A_556, %dma_wait3A_557] : memref<8x8x1024xf32, #tpu.memory_space<vmem>> -> memref<1x8x1024xf32, #tpu.memory_space<vmem>>
          %dma_wait3A_559 = tpu.memref_squeeze %dma_wait3A_558 : memref<1x8x1024xf32, #tpu.memory_space<vmem>> -> memref<8x1024xf32, #tpu.memory_space<vmem>>
          tpu.wait_dma2 semaphore(%arg20 : memref<!tpu.dma_semaphore, #tpu.memory_space<semaphore_mem>>) src(%dma_wait3A_559 : memref<8x1024xf32, #tpu.memory_space<vmem>>) dst(%dma_wait3A_555 : memref<8x1024xf32, #tpu.memory_space<hbm>>)
        } else {
        }
        %add3A_526 = arith.constant 6 : i32
        %add3A_527 = arith.addi %add3A_482, %add3A_526 : i32
        %mul3A_528 = arith.constant 8 : i32
        %mul3A_529 = arith.muli %add3A_527, %mul3A_528 : i32
        %multiple_of3A_530 = tpu.assume_multiple %mul3A_529, 8 : i32
        %dma_start3A_531 = arith.constant 5 : i32
        %dma_start3A_532 = arith.constant 0 : i32
        %dma_start3A_533 = arith.constant 0 : i32
        %dma_start3A_534 = tpu.memref_slice %arg6[%dma_start3A_531, %dma_start3A_532, %dma_start3A_533] : memref<8x8x1024xf32, #tpu.memory_space<vmem>> -> memref<1x8x1024xf32, #tpu.memory_space<vmem>>
        %dma_start3A_535 = tpu.memref_squeeze %dma_start3A_534 : memref<1x8x1024xf32, #tpu.memory_space<vmem>> -> memref<8x1024xf32, #tpu.memory_space<vmem>>
        %dma_start3A_536 = tpu.memref_slice %arg5[%multiple_of3A_530] : memref<1024xi32, #tpu.memory_space<vmem>> -> memref<8xi32, #tpu.memory_space<vmem>>
        %dma_start3A_537 = arith.constant 0 : i32
        %dma_start3A_538 = arith.constant 0 : i32
        %dma_start3A_539 = tpu.memref_slice %arg3[%dma_start3A_537, %dma_start3A_538] : memref<8192x1024xf32, #tpu.memory_space<hbm>> -> memref<8192x1024xf32, #tpu.memory_space<hbm>>
        tpu.enqueue_indirect_dma source(%dma_start3A_539 : memref<8192x1024xf32, #tpu.memory_space<hbm>>) target(%dma_start3A_535 : memref<8x1024xf32, #tpu.memory_space<vmem>>) offsets(%dma_start3A_536 : memref<8xi32, #tpu.memory_space<vmem>>) semaphore(%arg12 : memref<!tpu.dma_semaphore, #tpu.memory_space<semaphore_mem>>)
      } else {
      }
      %mul3A_490 = arith.constant 8 : i32
      %mul3A_491 = arith.muli %add3A_482, %mul3A_490 : i32
      %multiple_of3A_492 = tpu.assume_multiple %mul3A_491, 8 : i32
      %dma_wait3A_493 = arith.constant 7 : i32
      %dma_wait3A_494 = arith.constant 0 : i32
      %dma_wait3A_495 = arith.constant 0 : i32
      %dma_wait3A_496 = tpu.memref_slice %arg6[%dma_wait3A_493, %dma_wait3A_494, %dma_wait3A_495] : memref<8x8x1024xf32, #tpu.memory_space<vmem>> -> memref<1x8x1024xf32, #tpu.memory_space<vmem>>
      %dma_wait3A_497 = tpu.memref_squeeze %dma_wait3A_496 : memref<1x8x1024xf32, #tpu.memory_space<vmem>> -> memref<8x1024xf32, #tpu.memory_space<vmem>>
      %dma_wait3A_498 = tpu.memref_slice %arg5[%multiple_of3A_492] : memref<1024xi32, #tpu.memory_space<vmem>> -> memref<8xi32, #tpu.memory_space<vmem>>
      %dma_wait3A_499 = arith.constant 0 : i32
      %dma_wait3A_500 = arith.constant 0 : i32
      %dma_wait3A_501 = tpu.memref_slice %arg3[%dma_wait3A_499, %dma_wait3A_500] : memref<8192x1024xf32, #tpu.memory_space<hbm>> -> memref<8192x1024xf32, #tpu.memory_space<hbm>>
      tpu.wait_indirect_dma semaphore(%arg14 : memref<!tpu.dma_semaphore, #tpu.memory_space<semaphore_mem>>) src(%dma_wait3A_501 : memref<8192x1024xf32, #tpu.memory_space<hbm>>) dst(%dma_wait3A_497 : memref<8x1024xf32, #tpu.memory_space<vmem>>)
      %mul3A_502 = arith.constant 8 : i32
      %mul3A_503 = arith.muli %add3A_482, %mul3A_502 : i32
      %add3A_504 = arith.addi %mul3A_2, %mul3A_503 : i32
      %multiple_of3A_505 = tpu.assume_multiple %add3A_504, 8 : i32
      %dma_start3A_506 = arith.constant 7 : i32
      %dma_start3A_507 = arith.constant 0 : i32
      %dma_start3A_508 = arith.constant 0 : i32
      %dma_start3A_509 = tpu.memref_slice %arg6[%dma_start3A_506, %dma_start3A_507, %dma_start3A_508] : memref<8x8x1024xf32, #tpu.memory_space<vmem>> -> memref<1x8x1024xf32, #tpu.memory_space<vmem>>
      %dma_start3A_510 = tpu.memref_squeeze %dma_start3A_509 : memref<1x8x1024xf32, #tpu.memory_space<vmem>> -> memref<8x1024xf32, #tpu.memory_space<vmem>>
      %dma_start3A_511 = arith.constant 0 : i32
      %dma_start3A_512 = tpu.memref_slice %arg4[%multiple_of3A_505, %dma_start3A_511] : memref<32768x1024xf32, #tpu.memory_space<hbm>> -> memref<8x1024xf32, #tpu.memory_space<hbm>>
      %dma_start3A_513 = arith.constant 0 : i32
      %dma_start3A_514 = tpu.memref_slice %arg4[%multiple_of3A_505, %dma_start3A_513] : memref<32768x1024xf32, #tpu.memory_space<hbm>> -> memref<8x1024xf32, #tpu.memory_space<hbm>>
      %dma_start3A_515 = arith.constant 0 : i32
      %dma_start3A_516 = arith.constant 0 : i32
      %dma_start3A_517 = tpu.memref_slice %arg6[%dma_start3A_506, %dma_start3A_515, %dma_start3A_516] : memref<8x8x1024xf32, #tpu.memory_space<vmem>> -> memref<1x8x1024xf32, #tpu.memory_space<vmem>>
      %dma_start3A_518 = tpu.memref_squeeze %dma_start3A_517 : memref<1x8x1024xf32, #tpu.memory_space<vmem>> -> memref<8x1024xf32, #tpu.memory_space<vmem>>
      tpu.enqueue_dma source(%dma_start3A_518 : memref<8x1024xf32, #tpu.memory_space<vmem>>) target(%dma_start3A_514 : memref<8x1024xf32, #tpu.memory_space<hbm>>) target_semaphore(%arg22 : memref<!tpu.dma_semaphore, #tpu.memory_space<semaphore_mem>>)
      %scan3A_519 = arith.constant 0 : i32
      scf.yield %scan3A_519 : i32
    }
    %scan3A_72 = arith.constant 16 : i32
    %add3A_73 = arith.constant 960 : i32
    %add3A_74 = arith.addi %mul3A_2, %add3A_73 : i32
    %multiple_of3A_75 = tpu.assume_multiple %add3A_74, 8 : i32
    %dma_wait3A = arith.constant 0 : i32
    %dma_wait3A_76 = arith.constant 0 : i32
    %dma_wait3A_77 = arith.constant 0 : i32
    %dma_wait3A_78 = tpu.memref_slice %arg6[%dma_wait3A, %dma_wait3A_76, %dma_wait3A_77] : memref<8x8x1024xf32, #tpu.memory_space<vmem>> -> memref<1x8x1024xf32, #tpu.memory_space<vmem>>
    %dma_wait3A_79 = tpu.memref_squeeze %dma_wait3A_78 : memref<1x8x1024xf32, #tpu.memory_space<vmem>> -> memref<8x1024xf32, #tpu.memory_space<vmem>>
    %dma_wait3A_80 = arith.constant 0 : i32
    %dma_wait3A_81 = tpu.memref_slice %arg4[%multiple_of3A_75, %dma_wait3A_80] : memref<32768x1024xf32, #tpu.memory_space<hbm>> -> memref<8x1024xf32, #tpu.memory_space<hbm>>
    %dma_wait3A_82 = arith.constant 0 : i32
    %dma_wait3A_83 = tpu.memref_slice %arg4[%multiple_of3A_75, %dma_wait3A_82] : memref<32768x1024xf32, #tpu.memory_space<hbm>> -> memref<8x1024xf32, #tpu.memory_space<hbm>>
    %dma_wait3A_84 = arith.constant 0 : i32
    %dma_wait3A_85 = arith.constant 0 : i32
    %dma_wait3A_86 = tpu.memref_slice %arg6[%dma_wait3A, %dma_wait3A_84, %dma_wait3A_85] : memref<8x8x1024xf32, #tpu.memory_space<vmem>> -> memref<1x8x1024xf32, #tpu.memory_space<vmem>>
    %dma_wait3A_87 = tpu.memref_squeeze %dma_wait3A_86 : memref<1x8x1024xf32, #tpu.memory_space<vmem>> -> memref<8x1024xf32, #tpu.memory_space<vmem>>
    tpu.wait_dma2 semaphore(%arg15 : memref<!tpu.dma_semaphore, #tpu.memory_space<semaphore_mem>>) src(%dma_wait3A_87 : memref<8x1024xf32, #tpu.memory_space<vmem>>) dst(%dma_wait3A_83 : memref<8x1024xf32, #tpu.memory_space<hbm>>)
    %add3A_88 = arith.constant 968 : i32
    %add3A_89 = arith.addi %mul3A_2, %add3A_88 : i32
    %multiple_of3A_90 = tpu.assume_multiple %add3A_89, 8 : i32
    %dma_wait3A_91 = arith.constant 1 : i32
    %dma_wait3A_92 = arith.constant 0 : i32
    %dma_wait3A_93 = arith.constant 0 : i32
    %dma_wait3A_94 = tpu.memref_slice %arg6[%dma_wait3A_91, %dma_wait3A_92, %dma_wait3A_93] : memref<8x8x1024xf32, #tpu.memory_space<vmem>> -> memref<1x8x1024xf32, #tpu.memory_space<vmem>>
    %dma_wait3A_95 = tpu.memref_squeeze %dma_wait3A_94 : memref<1x8x1024xf32, #tpu.memory_space<vmem>> -> memref<8x1024xf32, #tpu.memory_space<vmem>>
    %dma_wait3A_96 = arith.constant 0 : i32
    %dma_wait3A_97 = tpu.memref_slice %arg4[%multiple_of3A_90, %dma_wait3A_96] : memref<32768x1024xf32, #tpu.memory_space<hbm>> -> memref<8x1024xf32, #tpu.memory_space<hbm>>
    %dma_wait3A_98 = arith.constant 0 : i32
    %dma_wait3A_99 = tpu.memref_slice %arg4[%multiple_of3A_90, %dma_wait3A_98] : memref<32768x1024xf32, #tpu.memory_space<hbm>> -> memref<8x1024xf32, #tpu.memory_space<hbm>>
    %dma_wait3A_100 = arith.constant 0 : i32
    %dma_wait3A_101 = arith.constant 0 : i32
    %dma_wait3A_102 = tpu.memref_slice %arg6[%dma_wait3A_91, %dma_wait3A_100, %dma_wait3A_101] : memref<8x8x1024xf32, #tpu.memory_space<vmem>> -> memref<1x8x1024xf32, #tpu.memory_space<vmem>>
    %dma_wait3A_103 = tpu.memref_squeeze %dma_wait3A_102 : memref<1x8x1024xf32, #tpu.memory_space<vmem>> -> memref<8x1024xf32, #tpu.memory_space<vmem>>
    tpu.wait_dma2 semaphore(%arg16 : memref<!tpu.dma_semaphore, #tpu.memory_space<semaphore_mem>>) src(%dma_wait3A_103 : memref<8x1024xf32, #tpu.memory_space<vmem>>) dst(%dma_wait3A_99 : memref<8x1024xf32, #tpu.memory_space<hbm>>)
    %add3A_104 = arith.constant 976 : i32
    %add3A_105 = arith.addi %mul3A_2, %add3A_104 : i32
    %multiple_of3A_106 = tpu.assume_multiple %add3A_105, 8 : i32
    %dma_wait3A_107 = arith.constant 2 : i32
    %dma_wait3A_108 = arith.constant 0 : i32
    %dma_wait3A_109 = arith.constant 0 : i32
    %dma_wait3A_110 = tpu.memref_slice %arg6[%dma_wait3A_107, %dma_wait3A_108, %dma_wait3A_109] : memref<8x8x1024xf32, #tpu.memory_space<vmem>> -> memref<1x8x1024xf32, #tpu.memory_space<vmem>>
    %dma_wait3A_111 = tpu.memref_squeeze %dma_wait3A_110 : memref<1x8x1024xf32, #tpu.memory_space<vmem>> -> memref<8x1024xf32, #tpu.memory_space<vmem>>
    %dma_wait3A_112 = arith.constant 0 : i32
    %dma_wait3A_113 = tpu.memref_slice %arg4[%multiple_of3A_106, %dma_wait3A_112] : memref<32768x1024xf32, #tpu.memory_space<hbm>> -> memref<8x1024xf32, #tpu.memory_space<hbm>>
    %dma_wait3A_114 = arith.constant 0 : i32
    %dma_wait3A_115 = tpu.memref_slice %arg4[%multiple_of3A_106, %dma_wait3A_114] : memref<32768x1024xf32, #tpu.memory_space<hbm>> -> memref<8x1024xf32, #tpu.memory_space<hbm>>
    %dma_wait3A_116 = arith.constant 0 : i32
    %dma_wait3A_117 = arith.constant 0 : i32
    %dma_wait3A_118 = tpu.memref_slice %arg6[%dma_wait3A_107, %dma_wait3A_116, %dma_wait3A_117] : memref<8x8x1024xf32, #tpu.memory_space<vmem>> -> memref<1x8x1024xf32, #tpu.memory_space<vmem>>
    %dma_wait3A_119 = tpu.memref_squeeze %dma_wait3A_118 : memref<1x8x1024xf32, #tpu.memory_space<vmem>> -> memref<8x1024xf32, #tpu.memory_space<vmem>>
    tpu.wait_dma2 semaphore(%arg17 : memref<!tpu.dma_semaphore, #tpu.memory_space<semaphore_mem>>) src(%dma_wait3A_119 : memref<8x1024xf32, #tpu.memory_space<vmem>>) dst(%dma_wait3A_115 : memref<8x1024xf32, #tpu.memory_space<hbm>>)
    %add3A_120 = arith.constant 984 : i32
    %add3A_121 = arith.addi %mul3A_2, %add3A_120 : i32
    %multiple_of3A_122 = tpu.assume_multiple %add3A_121, 8 : i32
    %dma_wait3A_123 = arith.constant 3 : i32
    %dma_wait3A_124 = arith.constant 0 : i32
    %dma_wait3A_125 = arith.constant 0 : i32
    %dma_wait3A_126 = tpu.memref_slice %arg6[%dma_wait3A_123, %dma_wait3A_124, %dma_wait3A_125] : memref<8x8x1024xf32, #tpu.memory_space<vmem>> -> memref<1x8x1024xf32, #tpu.memory_space<vmem>>
    %dma_wait3A_127 = tpu.memref_squeeze %dma_wait3A_126 : memref<1x8x1024xf32, #tpu.memory_space<vmem>> -> memref<8x1024xf32, #tpu.memory_space<vmem>>
    %dma_wait3A_128 = arith.constant 0 : i32
    %dma_wait3A_129 = tpu.memref_slice %arg4[%multiple_of3A_122, %dma_wait3A_128] : memref<32768x1024xf32, #tpu.memory_space<hbm>> -> memref<8x1024xf32, #tpu.memory_space<hbm>>
    %dma_wait3A_130 = arith.constant 0 : i32
    %dma_wait3A_131 = tpu.memref_slice %arg4[%multiple_of3A_122, %dma_wait3A_130] : memref<32768x1024xf32, #tpu.memory_space<hbm>> -> memref<8x1024xf32, #tpu.memory_space<hbm>>
    %dma_wait3A_132 = arith.constant 0 : i32
    %dma_wait3A_133 = arith.constant 0 : i32
    %dma_wait3A_134 = tpu.memref_slice %arg6[%dma_wait3A_123, %dma_wait3A_132, %dma_wait3A_133] : memref<8x8x1024xf32, #tpu.memory_space<vmem>> -> memref<1x8x1024xf32, #tpu.memory_space<vmem>>
    %dma_wait3A_135 = tpu.memref_squeeze %dma_wait3A_134 : memref<1x8x1024xf32, #tpu.memory_space<vmem>> -> memref<8x1024xf32, #tpu.memory_space<vmem>>
    tpu.wait_dma2 semaphore(%arg18 : memref<!tpu.dma_semaphore, #tpu.memory_space<semaphore_mem>>) src(%dma_wait3A_135 : memref<8x1024xf32, #tpu.memory_space<vmem>>) dst(%dma_wait3A_131 : memref<8x1024xf32, #tpu.memory_space<hbm>>)
    %add3A_136 = arith.constant 992 : i32
    %add3A_137 = arith.addi %mul3A_2, %add3A_136 : i32
    %multiple_of3A_138 = tpu.assume_multiple %add3A_137, 8 : i32
    %dma_wait3A_139 = arith.constant 4 : i32
    %dma_wait3A_140 = arith.constant 0 : i32
    %dma_wait3A_141 = arith.constant 0 : i32
    %dma_wait3A_142 = tpu.memref_slice %arg6[%dma_wait3A_139, %dma_wait3A_140, %dma_wait3A_141] : memref<8x8x1024xf32, #tpu.memory_space<vmem>> -> memref<1x8x1024xf32, #tpu.memory_space<vmem>>
    %dma_wait3A_143 = tpu.memref_squeeze %dma_wait3A_142 : memref<1x8x1024xf32, #tpu.memory_space<vmem>> -> memref<8x1024xf32, #tpu.memory_space<vmem>>
    %dma_wait3A_144 = arith.constant 0 : i32
    %dma_wait3A_145 = tpu.memref_slice %arg4[%multiple_of3A_138, %dma_wait3A_144] : memref<32768x1024xf32, #tpu.memory_space<hbm>> -> memref<8x1024xf32, #tpu.memory_space<hbm>>
    %dma_wait3A_146 = arith.constant 0 : i32
    %dma_wait3A_147 = tpu.memref_slice %arg4[%multiple_of3A_138, %dma_wait3A_146] : memref<32768x1024xf32, #tpu.memory_space<hbm>> -> memref<8x1024xf32, #tpu.memory_space<hbm>>
    %dma_wait3A_148 = arith.constant 0 : i32
    %dma_wait3A_149 = arith.constant 0 : i32
    %dma_wait3A_150 = tpu.memref_slice %arg6[%dma_wait3A_139, %dma_wait3A_148, %dma_wait3A_149] : memref<8x8x1024xf32, #tpu.memory_space<vmem>> -> memref<1x8x1024xf32, #tpu.memory_space<vmem>>
    %dma_wait3A_151 = tpu.memref_squeeze %dma_wait3A_150 : memref<1x8x1024xf32, #tpu.memory_space<vmem>> -> memref<8x1024xf32, #tpu.memory_space<vmem>>
    tpu.wait_dma2 semaphore(%arg19 : memref<!tpu.dma_semaphore, #tpu.memory_space<semaphore_mem>>) src(%dma_wait3A_151 : memref<8x1024xf32, #tpu.memory_space<vmem>>) dst(%dma_wait3A_147 : memref<8x1024xf32, #tpu.memory_space<hbm>>)
    %add3A_152 = arith.constant 1000 : i32
    %add3A_153 = arith.addi %mul3A_2, %add3A_152 : i32
    %multiple_of3A_154 = tpu.assume_multiple %add3A_153, 8 : i32
    %dma_wait3A_155 = arith.constant 5 : i32
    %dma_wait3A_156 = arith.constant 0 : i32
    %dma_wait3A_157 = arith.constant 0 : i32
    %dma_wait3A_158 = tpu.memref_slice %arg6[%dma_wait3A_155, %dma_wait3A_156, %dma_wait3A_157] : memref<8x8x1024xf32, #tpu.memory_space<vmem>> -> memref<1x8x1024xf32, #tpu.memory_space<vmem>>
    %dma_wait3A_159 = tpu.memref_squeeze %dma_wait3A_158 : memref<1x8x1024xf32, #tpu.memory_space<vmem>> -> memref<8x1024xf32, #tpu.memory_space<vmem>>
    %dma_wait3A_160 = arith.constant 0 : i32
    %dma_wait3A_161 = tpu.memref_slice %arg4[%multiple_of3A_154, %dma_wait3A_160] : memref<32768x1024xf32, #tpu.memory_space<hbm>> -> memref<8x1024xf32, #tpu.memory_space<hbm>>
    %dma_wait3A_162 = arith.constant 0 : i32
    %dma_wait3A_163 = tpu.memref_slice %arg4[%multiple_of3A_154, %dma_wait3A_162] : memref<32768x1024xf32, #tpu.memory_space<hbm>> -> memref<8x1024xf32, #tpu.memory_space<hbm>>
    %dma_wait3A_164 = arith.constant 0 : i32
    %dma_wait3A_165 = arith.constant 0 : i32
    %dma_wait3A_166 = tpu.memref_slice %arg6[%dma_wait3A_155, %dma_wait3A_164, %dma_wait3A_165] : memref<8x8x1024xf32, #tpu.memory_space<vmem>> -> memref<1x8x1024xf32, #tpu.memory_space<vmem>>
    %dma_wait3A_167 = tpu.memref_squeeze %dma_wait3A_166 : memref<1x8x1024xf32, #tpu.memory_space<vmem>> -> memref<8x1024xf32, #tpu.memory_space<vmem>>
    tpu.wait_dma2 semaphore(%arg20 : memref<!tpu.dma_semaphore, #tpu.memory_space<semaphore_mem>>) src(%dma_wait3A_167 : memref<8x1024xf32, #tpu.memory_space<vmem>>) dst(%dma_wait3A_163 : memref<8x1024xf32, #tpu.memory_space<hbm>>)
    %add3A_168 = arith.constant 1008 : i32
    %add3A_169 = arith.addi %mul3A_2, %add3A_168 : i32
    %multiple_of3A_170 = tpu.assume_multiple %add3A_169, 8 : i32
    %dma_wait3A_171 = arith.constant 6 : i32
    %dma_wait3A_172 = arith.constant 0 : i32
    %dma_wait3A_173 = arith.constant 0 : i32
    %dma_wait3A_174 = tpu.memref_slice %arg6[%dma_wait3A_171, %dma_wait3A_172, %dma_wait3A_173] : memref<8x8x1024xf32, #tpu.memory_space<vmem>> -> memref<1x8x1024xf32, #tpu.memory_space<vmem>>
    %dma_wait3A_175 = tpu.memref_squeeze %dma_wait3A_174 : memref<1x8x1024xf32, #tpu.memory_space<vmem>> -> memref<8x1024xf32, #tpu.memory_space<vmem>>
    %dma_wait3A_176 = arith.constant 0 : i32
    %dma_wait3A_177 = tpu.memref_slice %arg4[%multiple_of3A_170, %dma_wait3A_176] : memref<32768x1024xf32, #tpu.memory_space<hbm>> -> memref<8x1024xf32, #tpu.memory_space<hbm>>
    %dma_wait3A_178 = arith.constant 0 : i32
    %dma_wait3A_179 = tpu.memref_slice %arg4[%multiple_of3A_170, %dma_wait3A_178] : memref<32768x1024xf32, #tpu.memory_space<hbm>> -> memref<8x1024xf32, #tpu.memory_space<hbm>>
    %dma_wait3A_180 = arith.constant 0 : i32
    %dma_wait3A_181 = arith.constant 0 : i32
    %dma_wait3A_182 = tpu.memref_slice %arg6[%dma_wait3A_171, %dma_wait3A_180, %dma_wait3A_181] : memref<8x8x1024xf32, #tpu.memory_space<vmem>> -> memref<1x8x1024xf32, #tpu.memory_space<vmem>>
    %dma_wait3A_183 = tpu.memref_squeeze %dma_wait3A_182 : memref<1x8x1024xf32, #tpu.memory_space<vmem>> -> memref<8x1024xf32, #tpu.memory_space<vmem>>
    tpu.wait_dma2 semaphore(%arg21 : memref<!tpu.dma_semaphore, #tpu.memory_space<semaphore_mem>>) src(%dma_wait3A_183 : memref<8x1024xf32, #tpu.memory_space<vmem>>) dst(%dma_wait3A_179 : memref<8x1024xf32, #tpu.memory_space<hbm>>)
    %add3A_184 = arith.constant 1016 : i32
    %add3A_185 = arith.addi %mul3A_2, %add3A_184 : i32
    %multiple_of3A_186 = tpu.assume_multiple %add3A_185, 8 : i32
    %dma_wait3A_187 = arith.constant 7 : i32
    %dma_wait3A_188 = arith.constant 0 : i32
    %dma_wait3A_189 = arith.constant 0 : i32
    %dma_wait3A_190 = tpu.memref_slice %arg6[%dma_wait3A_187, %dma_wait3A_188, %dma_wait3A_189] : memref<8x8x1024xf32, #tpu.memory_space<vmem>> -> memref<1x8x1024xf32, #tpu.memory_space<vmem>>
    %dma_wait3A_191 = tpu.memref_squeeze %dma_wait3A_190 : memref<1x8x1024xf32, #tpu.memory_space<vmem>> -> memref<8x1024xf32, #tpu.memory_space<vmem>>
    %dma_wait3A_192 = arith.constant 0 : i32
    %dma_wait3A_193 = tpu.memref_slice %arg4[%multiple_of3A_186, %dma_wait3A_192] : memref<32768x1024xf32, #tpu.memory_space<hbm>> -> memref<8x1024xf32, #tpu.memory_space<hbm>>
    %dma_wait3A_194 = arith.constant 0 : i32
    %dma_wait3A_195 = tpu.memref_slice %arg4[%multiple_of3A_186, %dma_wait3A_194] : memref<32768x1024xf32, #tpu.memory_space<hbm>> -> memref<8x1024xf32, #tpu.memory_space<hbm>>
    %dma_wait3A_196 = arith.constant 0 : i32
    %dma_wait3A_197 = arith.constant 0 : i32
    %dma_wait3A_198 = tpu.memref_slice %arg6[%dma_wait3A_187, %dma_wait3A_196, %dma_wait3A_197] : memref<8x8x1024xf32, #tpu.memory_space<vmem>> -> memref<1x8x1024xf32, #tpu.memory_space<vmem>>
    %dma_wait3A_199 = tpu.memref_squeeze %dma_wait3A_198 : memref<1x8x1024xf32, #tpu.memory_space<vmem>> -> memref<8x1024xf32, #tpu.memory_space<vmem>>
    tpu.wait_dma2 semaphore(%arg22 : memref<!tpu.dma_semaphore, #tpu.memory_space<semaphore_mem>>) src(%dma_wait3A_199 : memref<8x1024xf32, #tpu.memory_space<vmem>>) dst(%dma_wait3A_195 : memref<8x1024xf32, #tpu.memory_space<hbm>>)
    return
  }
}

</mosaic_0001>

<sc_bundles>
// kernel: kernel.3.cloned.1.call-start
scs
__scs_entry_jumppad:
0x0: {  	(pc) =	sbr.rel $0x88, $3  }
0x1: {  	(tag) =	ssettag $0x0;
	lr =	simm.s32 $0x1  }
0x2: {  	[smem:$0x3F9F] =	sst lr;
	_ =	strace $0xD0000000  }
0x3: {  	_ = 	snop  }
0x4: {  	_ = 	snop  }
0x5: {  	_ = 	snop  }
0x6: {  	_ = 	snop  }
0x7: {  	_ = 	snop  }
__scs_overlays_trampoline_lowered:
0x8: {  	[smem:$0x3FAE] =	sst s0  }
0x9: {  	[smem:$0x3FAF] =	sst s1  }
0xa: {  	[smem:$0x3FB0] =	sst s2  }
0xb: {  	[smem:$0x3FB1] =	sst s3  }
0xc: {  	[smem:$0x3FB2] =	sst s4  }
0xd: {  	[smem:$0x3FB3] =	sst s5  }
0xe: {  	[smem:$0x3FB4] =	sst s6  }
0xf: {  	[smem:$0x3FB5] =	sst s7  }
0x10: {  	[smem:$0x3FB6] =	sst s8  }
0x11: {  	[smem:$0x3FB7] =	sst s9;
	s0 =	simm.s32 @!p0 $0x0  }
0x12: {  	s1 =	sld [smem:$0x3F9D];
	s0 =	simm.s32 @p0 $0x1  }
0x13: {  	[smem:$0x3FB8] =	sst s0;
	s0 =	simm.s32 @!p1 $0x0  }
0x14: {  	s2 =	sld [smem:$0x3F9C];
	s0 =	simm.s32 @p1 $0x1  }
0x15: {  	[smem:$0x3FB9] =	sst s0;
	s0 =	simm.s32 @!p2 $0x0  }
0x16: {  	s3 =	sld [smem:$0x3FDB];
	s0 =	simm.s32 @p2 $0x1  }
0x17: {  	s4 =	simm.s32 $0x1BF5;
	[smem:$0x3FBB] =	sst s0  }
0x18: {  	s0 =	sld [smem:$0x3F9E];
	_ =	swait.ge [sflag:s4], $0x0  }
0x19: {  	s7 =	sld [smem:$0x3F9F]  }
0x1a: {  	s8 =	sadd.s32 $0xFFFFE003, lr  }
0x1b: {  	s9 =	sadd.s32 $0xFFFFFEF7, lr;
	s5 =	simm.s32 $0xFFFFFFFF;
	p2 =	slt.u32 s8, $0xFFFFF086  }
0x1c: {  	p1 =	slt.u32 s9, $0xF7A;
	s5 =	simm.s32 @!p2 $0x0  }
0x1d: {  	s5 =	simm.s32 @p1 $0x1;
	p0 =	seq.s32 s7, s2  }
0x1e: {  	s7 =	smul.u32 @!p0 $0xF7A, s2;
	p2 =	seq.s32 @!p0 s5, $0x0  }
0x1f: {  	s9 =	smul.u32 $0xF7A, s1;
	s8 =	simm.s32 @!p0 $0x1BF5;
	p2 =	por !p2, p0  }
0x20: {  	[sflag:s8] =	ssyncset.s32 @!p0 $0xFFFFF086;
	s6 =	sadd.s32 @!p0 s3, s7;
	s7 =	simm.s32 @!p0 $0x108  }
0x21: {  	s3 =	sadd.s32 s3, s9;
	s6 =	sadd.s32 @!p0 $0x88, s6;
	s7 =	simm.s32 @p2 $0x1082  }
0x22: {  	[simem:s7], [sflag:s8] =	dma.local @!p0 [hbm:s6], $0xF7A  }
0x23: {  	s9 =	sor.u32 $0xD0000000, s2;
	s6 =	simm.s32 $0x108;
	_ =	swait.ge @!p0 [sflag:s8], $0x0  }
0x24: {  	s3 =	sadd.s32 $0x88, s3;
	s6 =	simm.s32 @!p1 $0x1082;
	[sflag:s4] =	ssyncset.s32 $0xFFFFF086  }
0x25: {  	[simem:s6], [sflag:s4] =	dma.local [hbm:s3], $0xF7A  }
0x26: {  	[smem:$0x3F9F] =	sst s1;
	(tag) =	ssettag s2;
	_ =	strace s9  }
0x27: {  	s1 =	sld [smem:$0x3FAF]  }
0x28: {  	s2 =	sld [smem:$0x3FB0]  }
0x29: {  	s4 =	sld [smem:$0x3FB2]  }
0x2a: {  	p0 =	seq.s32 s5, $0x0;
	s5 =	sld [smem:$0x3FB3]  }
0x2b: {  	s6 =	sld [smem:$0x3FB4]  }
0x2c: {  	s7 =	sld [smem:$0x3FB5]  }
0x2d: {  	s3 =	simm.s32 $0x108;
	s8 =	sld [smem:$0x3FB6]  }
0x2e: {  	s3 =	simm.s32 @!p0 $0x1082;
	s9 =	sld [smem:$0x3FB7]  }
0x2f: {  	lr =	sadd.s32 s0, s3;
	s0 =	sld [smem:$0x3FAE]  }
0x30: {  	s3 =	sld [smem:$0x3FB1]  }
0x31: {  	[smem:$0x3FBA] =	sst s10  }
0x32: {  	s10 =	sld [smem:$0x3FB8];
	_ =	sdelay $0x3  }
0x33: {  	p0 =	seq.s32 s10, $0x1;
	s10 =	sld [smem:$0x3FBA];
	_ =	sdelay $0x3  }
0x34: {  	[smem:$0x3FBA] =	sst s10  }
0x35: {  	s10 =	sld [smem:$0x3FB9];
	_ =	sdelay $0x3  }
0x36: {  	p1 =	seq.s32 s10, $0x1;
	s10 =	sld [smem:$0x3FBA];
	_ =	sdelay $0x3  }
0x37: {  	[smem:$0x3FBA] =	sst s10  }
0x38: {  	s10 =	sld [smem:$0x3FBB]  }
0x39: {  	_ = 	snop;
	(pc) =	sbr.ind lr, $3  }
0x3a: {  	_ = 	snop  }
0x3b: {  	_ = 	snop  }
0x3c: {  	p2 =	seq.s32 s10, $0x1;
	s10 =	sld [smem:$0x3FBA]  }
0x3d: {  	_ =	shalt  }
0x3e: {  	_ =	shalt  }
0x3f: {  	_ =	shalt  }
0x40: {  	_ =	shalt  }
0x41: {  	_ =	shalt  }
0x42: {  	_ =	shalt  }
0x43: {  	_ =	shalt  }
0x44: {  	_ =	shalt  }
0x45: {  	_ =	shalt  }
0x46: {  	_ =	shalt  }
0x47: {  	_ =	shalt  }
0x48: {  	_ =	shalt  }
0x49: {  	_ =	shalt  }
0x4a: {  	_ =	shalt  }
0x4b: {  	_ =	shalt  }
0x4c: {  	_ =	shalt  }
0x4d: {  	_ =	shalt  }
0x4e: {  	_ =	shalt  }
0x4f: {  	_ =	shalt  }
0x50: {  	_ =	shalt  }
0x51: {  	_ =	shalt  }
0x52: {  	_ =	shalt  }
0x53: {  	_ =	shalt  }
0x54: {  	_ =	shalt  }
0x55: {  	_ =	shalt  }
0x56: {  	_ =	shalt  }
0x57: {  	_ =	shalt  }
0x58: {  	_ =	shalt  }
0x59: {  	_ =	shalt  }
0x5a: {  	_ =	shalt  }
0x5b: {  	_ =	shalt  }
0x5c: {  	_ =	shalt  }
0x5d: {  	_ =	shalt  }
0x5e: {  	_ =	shalt  }
0x5f: {  	_ =	shalt  }
0x60: {  	_ =	shalt  }
0x61: {  	_ =	shalt  }
0x62: {  	_ =	shalt  }
0x63: {  	_ =	shalt  }
0x64: {  	_ =	shalt  }
0x65: {  	_ =	shalt  }
0x66: {  	_ =	shalt  }
0x67: {  	_ =	shalt  }
0x68: {  	_ =	shalt  }
0x69: {  	_ =	shalt  }
0x6a: {  	_ =	shalt  }
0x6b: {  	_ =	shalt  }
0x6c: {  	_ =	shalt  }
0x6d: {  	_ =	shalt  }
0x6e: {  	_ =	shalt  }
0x6f: {  	_ =	shalt  }
0x70: {  	_ =	shalt  }
0x71: {  	_ =	shalt  }
0x72: {  	_ =	shalt  }
0x73: {  	_ =	shalt  }
0x74: {  	_ =	shalt  }
0x75: {  	_ =	shalt  }
0x76: {  	_ =	shalt  }
0x77: {  	_ =	shalt  }
0x78: {  	_ =	shalt  }
0x79: {  	_ =	shalt  }
0x7a: {  	_ =	shalt  }
0x7b: {  	_ =	shalt  }
0x7c: {  	_ =	shalt  }
0x7d: {  	_ =	shalt  }
0x7e: {  	_ =	shalt  }
0x7f: {  	_ =	shalt  }
0x80: {  	_ =	shalt  }
0x81: {  	_ =	shalt  }
0x82: {  	_ =	shalt  }
0x83: {  	_ =	shalt  }
0x84: {  	_ =	shalt  }
0x85: {  	_ =	shalt  }
0x86: {  	_ =	shalt  }
0x87: {  	_ =	shalt  }
.Lfunc_end0:
.L_simem_size_0:
called_computation_lowered:
.L_overlay_start_0:
0x88: {  	s2 =	sld [smem:$0x3FD9]  }
0x89: {  	s3 =	sld [smem:$0x3FFE];
	_ =	sdelay $0x1  }
0x8a: {  	s1 =	srdreg.scid  }
0x8b: {  	s0 =	sand.u32 $0x1, s1  }
0x8c: {  	s17 =	sshll.u32 s0, $0xA;
	s2 =	sadd.s32 s3, s2  }
0x8d: {  	s2 =	sadd.s32 s2, s17  }
0x8e: {  	[smem:$0x3FC6] =	sst s2  }
0x8f: {  	_ = 	snop  }
0x90: {  	s2 =	sld [smem:$0x3FC8]  }
0x91: {  	s18 =	sld [smem:$0x3FD0];
	(tm) =	ssettm $0x1  }
0x92: {  	s4 =	sld [smem:$0x3FFB];
	_ =	sdelay $0x3  }
0x93: {  	_ =	strace s4  }
0x94: {  	s4 =	sld [smem:$0x3FFC];
	_ =	sdelay $0x3  }
0x95: {  	_ =	strace s4  }
0x96: {  	s4 =	sld [smem:$0x3FFD];
	_ =	sdelay $0x3  }
0x97: {  	_ =	strace s4  }
0x98: {  	_ =	strace $0x8FFFFFFF  }
0x99: {  	s19 =	sld [smem:$0x3FDB];
	_ =	sdelay $0x1  }
0x9a: {  	s5 =	simm.s32 $_scs_section_size  }
0x9b: {  	s6 =	simm.s32 $_size__tile_overlayer_lowered;
	s7 =	simm.s32 $_tile_overlayer_lowered  }
0x9c: {  	s22 =	simm.s32 $0x1BFF;
	s21 =	sshll.u32 s7, $0x1;
	s4 =	sadd.s32 s5, s19  }
0x9d: {  	s8 =	simm.s32 $0x0;
	s20 =	sshll.u32 s6, $0x1;
	s6 =	sadd.s32 s21, s4  }
0x9e: {  	[timem:s8], [sflag:s22] =	dma.local [hbm:s6], s20  }
0x9f: {  	_ =	swait.ge [sflag:s22], s20  }
0xa0: {  	s5 =	ssub.s32 $0x0, s20;
	[sflag:s22] =	ssyncset.done $0x0  }
0xa1: {  	[sflag:s22] =	ssyncadd.s32 s5;
	_ =	sdelay $0x1  }
0xa2: {  	s23 =	simm.s32 $0x1B8B  }
0xa3: {  	_ =	swait.ge [sflag:s23], $0x1  }
0xa4: {  	[sflag:s23] =	ssyncset.done $0x0  }
0xa5: {  	s25 =	simm.s32 $0x1B8E;
	s24 =	sld [smem:$0x3FFE];
	[sflag:s23] =	ssyncadd.s32 $0xFFFFFFFF  }
0xa6: {  	s26 =	simm.s32 $execute0_lowered;
	[smem:$0x3FD2] =	sst s25  }
0xa7: {  	s6 =	sshll.u32 s26, $0x1;
	_ =	strace $0x80000046;
	[dreg:$0x1] =	wrdreg $0xFFFFFFFF  }
0xa8: {  	s28 =	simm.s32 $_size_execute0_lowered;
	s4 =	sadd.s32 s4, s6;
	[dreg:$0x0] =	wrdreg $0x0  }
0xa9: {  	s6 =	sshll.u32 s28, $0x1;
	[dreg:$0x2] =	wrdreg s4  }
0xaa: {  	[dreg:$0x3] =	wrdreg s6  }
0xab: {  	[dreg:$0x4] =	wrdreg $0xC0  }
0xac: {  	_ =	task [dreg:s8], $0x5FFFF  }
0xad: {  	[dreg:$0x1] =	wrdreg $0xFFFFFFFF  }
0xae: {  	[dreg:$0x0] =	wrdreg $0x60  }
0xaf: {  	[dreg:$0x2] =	wrdreg s24  }
0xb0: {  	[dreg:$0x3] =	wrdreg s2  }
0xb1: {  	[dreg:$0x4] =	wrdreg s18  }
0xb2: {  	[dreg:$0x5] =	wrdreg $0x9  }
0xb3: {  	_ =	task.clear_ibuf [dreg:s8], $0x6FFFF;
	_ =	strace $0x90000046  }
0xb4: {  	s29 =	simm.s32 $0x9;
	_ =	strace $0x80000048  }
0xb5: {  	_ =	swait.ge [sflag:s29], $0x1  }
0xb6: {  	[sflag:s29] =	ssyncadd.s32 $0xFFFFFFFF  }
0xb7: {  	_ =	strace $0x90000048  }
0xb8: {  	_ =	sfence  }
0xb9: {  	s30 =	sld [smem:$0x0];
	_ =	sdelay $0x2  }
0xba: {  	s31 =	sshll.u32 s1, $0xD;
	s1 =	sshrl.u32 s1, $0x2  }
0xbb: {  	s3 =	sand.u32 $0x4000, s31;
	s1 =	sadd.s32 s1, s30  }
0xbc: {  	s0 =	sor.u32 s3, s0;
	s1 =	sshll.u32 s1, $0x11  }
0xbd: {  	s0 =	sor.u32 s1, s0  }
0xbe: {  	s0 =	sadd.s32 $0x8F2B, s0  }
0xbf: {  	[sflag:s0] =	ssyncadd.remote.s32 $0x1  }
0xc0: {  	_ =	sfence.sel $0xFFFF  }
0xc1: {  	[dreg:$0x0] =	wrdreg $0xFFFFFFFF;
	(pc) =	sbr.abs _section_cstart, $3  }
0xc2: {  	[dreg:$0x1] =	wrdreg $0xFFFFFFFF  }
0xc3: {  	_ =	task.clear_ibuf [dreg:s8], $0x2FFFF;
	_ =	strace $0x9FFFFFFF  }
0xc4: {  	(tm) =	ssettm $0x7FFFFFFF  }
0xc5: {  	_ =	shalt  }
tec
execute0_lowered:
.L_overlay_start_1:
0x0: {  	(tag) =	ssettag $0x1  }
0x1: {  	s0 =	rddreg [dreg:$0x0]  }
0x2: {  	s2 =	rddreg [dreg:$0x1]  }
0x3: {  	s1 =	srdreg.scid;
	s4 =	rddreg [dreg:$0x2]  }
0x4: {  	s9 =	stileid.u32;
	s3 =	simm.s32 $0x0;
	s11 =	simm.s32 $0x400  }
0x5: {  	s15 =	simm.s32 $0x2400;
	s23 =	simm.s32 $0xC400;
	s24 =	simm.s32 $0xCC00  }
0x6: {  	s25 =	simm.s32 $0xD400;
	s26 =	simm.s32 $0xDC00;
	s29 =	simm.s32 $0xEC00  }
0x7: {  	s30 =	simm.s32 $0xF400;
	s31 =	simm.s32 $0xFC00;
	s28 =	simm.s32 $0x8400  }
0x8: {  	s14 =	simm.s32 $0x1;
	s16 =	simm.s32 $0xE400;
	[smem:$0x7FF] =	sst s3  }
0x9: {  	s17 =	simm.s32 $0x2;
	_ =	strace $0x80000047;
	[dreg:$0x5] =	wrdreg s23  }
0xa: {  	s18 =	simm.s32 $0x3;
	s12 =	simm.s32 $0xF;
	[dreg:$0x6] =	wrdreg s24  }
0xb: {  	s13 =	simm.s32 $0x10;
	s1 =	sand.u32 $0x1, s1;
	[dreg:$0x7] =	wrdreg s25  }
0xc: {  	s5 =	sshll.u32 s9, $0xB;
	s21 =	sshll.u32 s9, $0x12;
	[dreg:$0x8] =	wrdreg s26  }
0xd: {  	s6 =	sshll.u32 s1, $0xA;
	s19 =	ssub.s32 $0x2, s1;
	[dreg:$0x9] =	wrdreg s29  }
0xe: {  	s22 =	sadd.s32 s21, s4;
	s1 =	sshll.u32 s1, $0x11;
	[dreg:$0xa] =	wrdreg s30  }
0xf: {  	s23 =	simm.s32 $0x6400;
	[dreg:$0xb] =	wrdreg s31;
	s21 =	simm.s32 $0x5  }
0x10: {  	s24 =	simm.s32 $0x8;
	s6 =	sor.u32 s6, s5;
	s8 =	sshrl.u32 s19, $0x1  }
0x11: {  	s5 =	sadd.s32 $0x100, s2;
	s9 =	sadd.s32 s1, s22;
	s22 =	simm.s32 $0x6  }
0x12: {  	s1 =	simm.s32 $0xE;
	s7 =	sshrl.u32 s6, $0x3;
	s8 =	ssub.s32 s19, s8  }
0x13: {  	s20 =	sshll.u32 s6, $0x7;
	s6 =	sadd.s32 $0x200, s2;
	s0 =	sadd.s32 s7, s0  }
0x14: {  	s19 =	simm.s32 $0x4400;
	s7 =	sadd.s32 $0x300, s2;
	s0 =	sadd.s32 $0x400, s0  }
0x15: {  	v0 =	vlaneseq.u32;
	s8 =	smax.u32 s8, $0x1;
	[dreg:$0xc] =	wrdreg s0;
	s0 =	sadd.s32 s20, s4  }
0x16: {  	v1 =	vshrl.u32 v0, $0x3;
	[dreg:$0xd] =	wrdreg s8;
	s20 =	simm.s32 $0x4;
	s0 =	sadd.s32 $0x1F800, s0  }
0x17: {  	vm0 =	vmmov $0xffff;
	v0 =	vand.u32 $0x7, v0;
	v1 =	vmul.u32 $0x8, v1;
	s4 =	simm.s32 $0x0;
	[dreg:$0x4] =	wrdreg s0;
	s0 =	simm.s32 $0xA400  }
.LBB2_1:
0x18: {  	s8 =	rddreg [dreg:$0xc];
	s31 =	simm.s32 $0x11  }
0x19: {  	[tilespmem:s3], [sflag:$0x11] =	stream.linear.gather [hbm4b:s8+s3], $0x400, $0x38;
	[tilespmem:$0x10400] =	vst v63  }
0x1a: {  	_ =	swait.ge [sflag:s31], $0x400  }
0x1b: {  	[sflag:s31] =	ssyncset.done $0x0  }
0x1c: {  	[sflag:s31] =	ssyncadd.s32 $0xFFFFFC00  }
0x1d: {  	v2 =	vld.msk [tilespmem:$0x0], $0xff;
	_ =	sdelay $0x4  }
0x1e: {  	v3 =	vshll.u32 v2, $0x3  }
0x1f: {  	v2 =	vand.u32 $0x7, v2;
	v3 =	vand.u32 $0xFFFFFFC0, v3  }
0x20: {  	v2 =	vor.u32 v2, v3  }
0x21: {  	v2 =	vperm.xlane v2, v0;
	_ =	sdelay $0x1  }
0x22: {  	v2 =	vadd.s32 v1, v2;
	_ =	sdelay $0x4  }
0x23: {  	[tilespmem:s11], [sflag:$0x1] =	stream.indirect_vreg.gather [hbm4b:s2+s3], $0x80, v2, vm0, $0xb8;
	[tilespmem:$0x10400] =	vst v63  }
0x24: {  	s10 =	simm.s32 $0xC00  }
0x25: {  	[tilespmem:s10], [sflag:$0x1] =	stream.indirect_vreg.gather [hbm4b:s5+s3], $0x80, v2, vm0, $0xb8;
	[tilespmem:$0x10400] =	vst v63  }
0x26: {  	s25 =	simm.s32 $0x1400  }
0x27: {  	[tilespmem:s25], [sflag:$0x1] =	stream.indirect_vreg.gather [hbm4b:s6+s3], $0x80, v2, vm0, $0xb8;
	[tilespmem:$0x10400] =	vst v63  }
0x28: {  	s26 =	simm.s32 $0x1C00  }
0x29: {  	[tilespmem:s26], [sflag:$0x1] =	stream.indirect_vreg.gather [hbm4b:s7+s3], $0x80, v2, vm0, $0xb8;
	[tilespmem:$0x10400] =	vst v63  }
0x2a: {  	v2 =	vld.msk [tilespmem:$0x8], $0xff;
	_ =	sdelay $0x4  }
0x2b: {  	v3 =	vshll.u32 v2, $0x3  }
0x2c: {  	v2 =	vand.u32 $0x7, v2;
	v3 =	vand.u32 $0xFFFFFFC0, v3  }
0x2d: {  	v2 =	vor.u32 v2, v3  }
0x2e: {  	v2 =	vperm.xlane v2, v0;
	_ =	sdelay $0x1  }
0x2f: {  	v2 =	vadd.s32 v1, v2;
	_ =	sdelay $0x4  }
0x30: {  	[tilespmem:s15], [sflag:$0x2] =	stream.indirect_vreg.gather [hbm4b:s2+s3], $0x80, v2, vm0, $0xb8;
	[tilespmem:$0x10400] =	vst v63  }
0x31: {  	s29 =	simm.s32 $0x2C00  }
0x32: {  	[tilespmem:s29], [sflag:$0x2] =	stream.indirect_vreg.gather [hbm4b:s5+s3], $0x80, v2, vm0, $0xb8;
	[tilespmem:$0x10400] =	vst v63  }
0x33: {  	s30 =	simm.s32 $0x3400  }
0x34: {  	[tilespmem:s30], [sflag:$0x2] =	stream.indirect_vreg.gather [hbm4b:s6+s3], $0x80, v2, vm0, $0xb8;
	[tilespmem:$0x10400] =	vst v63  }
0x35: {  	s31 =	simm.s32 $0x3C00  }
0x36: {  	[tilespmem:s31], [sflag:$0x2] =	stream.indirect_vreg.gather [hbm4b:s7+s3], $0x80, v2, vm0, $0xb8;
	[tilespmem:$0x10400] =	vst v63  }
0x37: {  	v2 =	vld.msk [tilespmem:$0x10], $0xff;
	_ =	sdelay $0x4  }
0x38: {  	v3 =	vshll.u32 v2, $0x3  }
0x39: {  	v2 =	vand.u32 $0x7, v2;
	v3 =	vand.u32 $0xFFFFFFC0, v3  }
0x3a: {  	v2 =	vor.u32 v2, v3  }
0x3b: {  	v2 =	vperm.xlane v2, v0;
	_ =	sdelay $0x1  }
0x3c: {  	v2 =	vadd.s32 v1, v2;
	_ =	sdelay $0x4  }
0x3d: {  	[tilespmem:s19], [sflag:$0x3] =	stream.indirect_vreg.gather [hbm4b:s2+s3], $0x80, v2, vm0, $0xb8;
	[tilespmem:$0x10400] =	vst v63  }
0x3e: {  	s10 =	simm.s32 $0x4C00  }
0x3f: {  	[tilespmem:s10], [sflag:$0x3] =	stream.indirect_vreg.gather [hbm4b:s5+s3], $0x80, v2, vm0, $0xb8;
	[tilespmem:$0x10400] =	vst v63  }
0x40: {  	s25 =	simm.s32 $0x5400  }
0x41: {  	[tilespmem:s25], [sflag:$0x3] =	stream.indirect_vreg.gather [hbm4b:s6+s3], $0x80, v2, vm0, $0xb8;
	[tilespmem:$0x10400] =	vst v63  }
0x42: {  	s26 =	simm.s32 $0x5C00  }
0x43: {  	[tilespmem:s26], [sflag:$0x3] =	stream.indirect_vreg.gather [hbm4b:s7+s3], $0x80, v2, vm0, $0xb8;
	[tilespmem:$0x10400] =	vst v63  }
0x44: {  	v2 =	vld.msk [tilespmem:$0x18], $0xff;
	_ =	sdelay $0x4  }
0x45: {  	v3 =	vshll.u32 v2, $0x3  }
0x46: {  	v2 =	vand.u32 $0x7, v2;
	v3 =	vand.u32 $0xFFFFFFC0, v3  }
0x47: {  	v2 =	vor.u32 v2, v3  }
0x48: {  	v2 =	vperm.xlane v2, v0;
	_ =	sdelay $0x1  }
0x49: {  	v2 =	vadd.s32 v1, v2;
	_ =	sdelay $0x4  }
0x4a: {  	[tilespmem:s23], [sflag:$0x4] =	stream.indirect_vreg.gather [hbm4b:s2+s3], $0x80, v2, vm0, $0xb8;
	[tilespmem:$0x10400] =	vst v63  }
0x4b: {  	s29 =	simm.s32 $0x6C00  }
0x4c: {  	[tilespmem:s29], [sflag:$0x4] =	stream.indirect_vreg.gather [hbm4b:s5+s3], $0x80, v2, vm0, $0xb8;
	[tilespmem:$0x10400] =	vst v63  }
0x4d: {  	s30 =	simm.s32 $0x7400  }
0x4e: {  	[tilespmem:s30], [sflag:$0x4] =	stream.indirect_vreg.gather [hbm4b:s6+s3], $0x80, v2, vm0, $0xb8;
	[tilespmem:$0x10400] =	vst v63  }
0x4f: {  	s31 =	simm.s32 $0x7C00  }
0x50: {  	[tilespmem:s31], [sflag:$0x4] =	stream.indirect_vreg.gather [hbm4b:s7+s3], $0x80, v2, vm0, $0xb8;
	[tilespmem:$0x10400] =	vst v63  }
0x51: {  	v2 =	vld.msk [tilespmem:$0x20], $0xff;
	_ =	sdelay $0x4  }
0x52: {  	v3 =	vshll.u32 v2, $0x3  }
0x53: {  	v2 =	vand.u32 $0x7, v2;
	v3 =	vand.u32 $0xFFFFFFC0, v3  }
0x54: {  	v2 =	vor.u32 v2, v3  }
0x55: {  	v2 =	vperm.xlane v2, v0;
	_ =	sdelay $0x1  }
0x56: {  	v2 =	vadd.s32 v1, v2;
	_ =	sdelay $0x4  }
0x57: {  	[tilespmem:s28], [sflag:$0x5] =	stream.indirect_vreg.gather [hbm4b:s2+s3], $0x80, v2, vm0, $0xb8;
	[tilespmem:$0x10400] =	vst v63  }
0x58: {  	s10 =	simm.s32 $0x8C00  }
0x59: {  	[tilespmem:s10], [sflag:$0x5] =	stream.indirect_vreg.gather [hbm4b:s5+s3], $0x80, v2, vm0, $0xb8;
	[tilespmem:$0x10400] =	vst v63  }
0x5a: {  	s25 =	simm.s32 $0x9400  }
0x5b: {  	[tilespmem:s25], [sflag:$0x5] =	stream.indirect_vreg.gather [hbm4b:s6+s3], $0x80, v2, vm0, $0xb8;
	[tilespmem:$0x10400] =	vst v63  }
0x5c: {  	s26 =	simm.s32 $0x9C00  }
0x5d: {  	[tilespmem:s26], [sflag:$0x5] =	stream.indirect_vreg.gather [hbm4b:s7+s3], $0x80, v2, vm0, $0xb8;
	[tilespmem:$0x10400] =	vst v63  }
0x5e: {  	v2 =	vld.msk [tilespmem:$0x28], $0xff;
	_ =	sdelay $0x4  }
0x5f: {  	v3 =	vshll.u32 v2, $0x3  }
0x60: {  	v2 =	vand.u32 $0x7, v2;
	v3 =	vand.u32 $0xFFFFFFC0, v3  }
0x61: {  	v2 =	vor.u32 v2, v3  }
0x62: {  	v2 =	vperm.xlane v2, v0;
	_ =	sdelay $0x1  }
0x63: {  	v2 =	vadd.s32 v1, v2;
	_ =	sdelay $0x4  }
0x64: {  	[tilespmem:s0], [sflag:$0x6] =	stream.indirect_vreg.gather [hbm4b:s2+s3], $0x80, v2, vm0, $0xb8;
	[tilespmem:$0x10400] =	vst v63  }
0x65: {  	s29 =	simm.s32 $0xAC00  }
0x66: {  	[tilespmem:s29], [sflag:$0x6] =	stream.indirect_vreg.gather [hbm4b:s5+s3], $0x80, v2, vm0, $0xb8;
	[tilespmem:$0x10400] =	vst v63  }
0x67: {  	s30 =	simm.s32 $0xB400  }
0x68: {  	[tilespmem:s30], [sflag:$0x6] =	stream.indirect_vreg.gather [hbm4b:s6+s3], $0x80, v2, vm0, $0xb8;
	[tilespmem:$0x10400] =	vst v63  }
0x69: {  	s8 =	simm.s32 $0x38;
	s31 =	simm.s32 $0xBC00;
	s10 =	simm.s32 $0x0  }
0x6a: {  	[tilespmem:s31], [sflag:$0x6] =	stream.indirect_vreg.gather [hbm4b:s7+s3], $0x80, v2, vm0, $0xb8;
	[tilespmem:$0x10400] =	vst v63  }
.LBB2_2:
0x6b: {  	p0 =	seq.s32 s10, $0x0  }
0x6c: {  	s25 =	simm.s32 @!p0 $0xF  }
0x6d: {  	_ =	swait.ge @!p0 [sflag:s25], $0x2000  }
0x6e: {  	[sflag:s25] =	ssyncset.done @!p0 $0x0  }
0x6f: {  	[sflag:s25] =	ssyncadd.s32 @!p0 $0xFFFFE000  }
0x70: {  	v2 =	vld.msk [tilespmem:s8+$0xFFFFFFF8], $0xff;
	_ =	sdelay $0x4  }
0x71: {  	v3 =	vshll.u32 v2, $0x3  }
0x72: {  	v2 =	vand.u32 $0x7, v2;
	v3 =	vand.u32 $0xFFFFFFC0, v3  }
0x73: {  	v2 =	vor.u32 v2, v3  }
0x74: {  	v2 =	vperm.xlane v2, v0;
	_ =	sdelay $0x1  }
0x75: {  	v2 =	vadd.s32 v1, v2;
	_ =	sdelay $0x3  }
0x76: {  	s30 =	rddreg [dreg:$0x5]  }
0x77: {  	[tilespmem:s30], [sflag:$0x7] =	stream.indirect_vreg.gather [hbm4b:s2+s3], $0x80, v2, vm0, $0xb8;
	[tilespmem:$0x10400] =	vst v63  }
0x78: {  	s26 =	rddreg [dreg:$0x6]  }
0x79: {  	[tilespmem:s26], [sflag:$0x7] =	stream.indirect_vreg.gather [hbm4b:s5+s3], $0x80, v2, vm0, $0xb8;
	[tilespmem:$0x10400] =	vst v63  }
0x7a: {  	s31 =	rddreg [dreg:$0x7]  }
0x7b: {  	[tilespmem:s31], [sflag:$0x7] =	stream.indirect_vreg.gather [hbm4b:s6+s3], $0x80, v2, vm0, $0xb8;
	[tilespmem:$0x10400] =	vst v63  }
0x7c: {  	s29 =	rddreg [dreg:$0x8]  }
0x7d: {  	[tilespmem:s29], [sflag:$0x7] =	stream.indirect_vreg.gather [hbm4b:s7+s3], $0x80, v2, vm0, $0xb8;
	[tilespmem:$0x10400] =	vst v63  }
0x7e: {  	_ =	swait.ge [sflag:s14], $0x2000  }
0x7f: {  	[sflag:s14] =	ssyncset.done $0x0  }
0x80: {  	s25 =	sadd.s32 s10, s9;
	s26 =	simm.s32 @!p0 $0x10;
	[sflag:s14] =	ssyncadd.s32 $0xFFFFE000  }
0x81: {  	[hbm4b:s25+s3] =	stream.linear.scatter [tilespmem:s11], [sflag:$0x9], $0x2000, $0x38;
	[tilespmem:$0x10400] =	vst v63  }
0x82: {  	_ =	swait.ge @!p0 [sflag:s26], $0x2000  }
0x83: {  	[sflag:s26] =	ssyncset.done @!p0 $0x0  }
0x84: {  	[sflag:s26] =	ssyncadd.s32 @!p0 $0xFFFFE000  }
0x85: {  	v2 =	vld.msk [tilespmem:s8+$0x0], $0xff;
	_ =	sdelay $0x4  }
0x86: {  	v3 =	vshll.u32 v2, $0x3  }
0x87: {  	v2 =	vand.u32 $0x7, v2;
	v3 =	vand.u32 $0xFFFFFFC0, v3  }
0x88: {  	v2 =	vor.u32 v2, v3  }
0x89: {  	v2 =	vperm.xlane v2, v0;
	_ =	sdelay $0x1  }
0x8a: {  	v2 =	vadd.s32 v1, v2;
	_ =	sdelay $0x4  }
0x8b: {  	[tilespmem:s16], [sflag:$0x8] =	stream.indirect_vreg.gather [hbm4b:s2+s3], $0x80, v2, vm0, $0xb8;
	[tilespmem:$0x10400] =	vst v63  }
0x8c: {  	s30 =	rddreg [dreg:$0x9]  }
0x8d: {  	[tilespmem:s30], [sflag:$0x8] =	stream.indirect_vreg.gather [hbm4b:s5+s3], $0x80, v2, vm0, $0xb8;
	[tilespmem:$0x10400] =	vst v63  }
0x8e: {  	s29 =	rddreg [dreg:$0xa]  }
0x8f: {  	[tilespmem:s29], [sflag:$0x8] =	stream.indirect_vreg.gather [hbm4b:s6+s3], $0x80, v2, vm0, $0xb8;
	[tilespmem:$0x10400] =	vst v63  }
0x90: {  	s31 =	rddreg [dreg:$0xb]  }
0x91: {  	[tilespmem:s31], [sflag:$0x8] =	stream.indirect_vreg.gather [hbm4b:s7+s3], $0x80, v2, vm0, $0xb8;
	[tilespmem:$0x10400] =	vst v63  }
0x92: {  	_ =	swait.ge [sflag:s17], $0x2000  }
0x93: {  	p0 =	seq.s32 s10, $0x1E000;
	[sflag:s17] =	ssyncset.done $0x0  }
0x94: {  	s26 =	simm.s32 @!p0 $0x9;
	s29 =	sadd.s32 $0x400, s25;
	[sflag:s17] =	ssyncadd.s32 $0xFFFFE000  }
0x95: {  	[hbm4b:s29+s3] =	stream.linear.scatter [tilespmem:s15], [sflag:$0xA], $0x2000, $0x38;
	[tilespmem:$0x10400] =	vst v63  }
0x96: {  	_ =	swait.ge @!p0 [sflag:s26], $0x2000  }
0x97: {  	[sflag:s26] =	ssyncset.done @!p0 $0x0  }
0x98: {  	[sflag:s26] =	ssyncadd.s32 @!p0 $0xFFFFE000  }
0x99: {  	v2 =	vld.msk @!p0 [tilespmem:s8+$0x8], $0xff;
	_ =	sdelay $0x4  }
0x9a: {  	v3 =	vshll.u32 @!p0 v2, $0x3  }
0x9b: {  	v4 =	vlaneseq.u32 @!p0;
	v2 =	vand.u32 @!p0 $0x7, v2;
	v3 =	vand.u32 @!p0 $0xFFFFFFC0, v3  }
0x9c: {  	v3 =	vor.u32 @!p0 v2, v3;
	v2 =	vand.u32 @!p0 $0x7, v4;
	v4 =	vshrl.u32 @!p0 v4, $0x3  }
0x9d: {  	v5 =	vperm.xlane @!p0 v3, v2;
	v3 =	vmul.u32 @!p0 $0x8, v4;
	_ =	sdelay $0x1  }
0x9e: {  	v4 =	vadd.s32 @!p0 v3, v5;
	_ =	sdelay $0x3  }
0x9f: {  	vm1 =	vmmov @!p0 $0xffff;
	s29 =	simm.s32 @!p0 $0x400;
	s26 =	simm.s32 @!p0 $0x0  }
0xa0: {  	[tilespmem:s29], [sflag:$0x1] =	stream.indirect_vreg.gather @!p0 [hbm4b:s2+s26], $0x80, v4, vm1, $0xb8;
	[tilespmem:$0x10400] =	vst v63  }
0xa1: {  	s29 =	simm.s32 @!p0 $0xC00  }
0xa2: {  	[tilespmem:s29], [sflag:$0x1] =	stream.indirect_vreg.gather @!p0 [hbm4b:s5+s26], $0x80, v4, vm1, $0xb8;
	[tilespmem:$0x10400] =	vst v63  }
0xa3: {  	s29 =	simm.s32 @!p0 $0x1400  }
0xa4: {  	[tilespmem:s29], [sflag:$0x1] =	stream.indirect_vreg.gather @!p0 [hbm4b:s6+s26], $0x80, v4, vm1, $0xb8;
	[tilespmem:$0x10400] =	vst v63  }
0xa5: {  	s29 =	simm.s32 @!p0 $0x1C00  }
0xa6: {  	[tilespmem:s29], [sflag:$0x1] =	stream.indirect_vreg.gather @!p0 [hbm4b:s7+s26], $0x80, v4, vm1, $0xb8;
	[tilespmem:$0x10400] =	vst v63  }
0xa7: {  	_ =	swait.ge [sflag:s18], $0x2000  }
0xa8: {  	[sflag:s18] =	ssyncset.done $0x0  }
0xa9: {  	s30 =	sadd.s32 $0x800, s25;
	s29 =	simm.s32 @!p0 $0xA;
	[sflag:s18] =	ssyncadd.s32 $0xFFFFE000  }
0xaa: {  	[hbm4b:s30+s3] =	stream.linear.scatter [tilespmem:s19], [sflag:$0xB], $0x2000, $0x38;
	[tilespmem:$0x10400] =	vst v63  }
0xab: {  	_ =	swait.ge @!p0 [sflag:s29], $0x2000  }
0xac: {  	[sflag:s29] =	ssyncset.done @!p0 $0x0  }
0xad: {  	[sflag:s29] =	ssyncadd.s32 @!p0 $0xFFFFE000  }
0xae: {  	v4 =	vld.msk @!p0 [tilespmem:s8+$0x10], $0xff;
	_ =	sdelay $0x4  }
0xaf: {  	v5 =	vshll.u32 @!p0 v4, $0x3  }
0xb0: {  	v4 =	vand.u32 @!p0 $0x7, v4;
	v5 =	vand.u32 @!p0 $0xFFFFFFC0, v5  }
0xb1: {  	v4 =	vor.u32 @!p0 v4, v5  }
0xb2: {  	v4 =	vperm.xlane @!p0 v4, v2;
	_ =	sdelay $0x1  }
0xb3: {  	v4 =	vadd.s32 @!p0 v3, v4;
	_ =	sdelay $0x3  }
0xb4: {  	s29 =	simm.s32 @!p0 $0x2400  }
0xb5: {  	[tilespmem:s29], [sflag:$0x2] =	stream.indirect_vreg.gather @!p0 [hbm4b:s2+s26], $0x80, v4, vm1, $0xb8;
	[tilespmem:$0x10400] =	vst v63  }
0xb6: {  	s29 =	simm.s32 @!p0 $0x2C00  }
0xb7: {  	[tilespmem:s29], [sflag:$0x2] =	stream.indirect_vreg.gather @!p0 [hbm4b:s5+s26], $0x80, v4, vm1, $0xb8;
	[tilespmem:$0x10400] =	vst v63  }
0xb8: {  	s29 =	simm.s32 @!p0 $0x3400  }
0xb9: {  	[tilespmem:s29], [sflag:$0x2] =	stream.indirect_vreg.gather @!p0 [hbm4b:s6+s26], $0x80, v4, vm1, $0xb8;
	[tilespmem:$0x10400] =	vst v63  }
0xba: {  	s29 =	simm.s32 @!p0 $0x3C00  }
0xbb: {  	[tilespmem:s29], [sflag:$0x2] =	stream.indirect_vreg.gather @!p0 [hbm4b:s7+s26], $0x80, v4, vm1, $0xb8;
	[tilespmem:$0x10400] =	vst v63  }
0xbc: {  	_ =	swait.ge [sflag:s20], $0x2000  }
0xbd: {  	[sflag:s20] =	ssyncset.done $0x0  }
0xbe: {  	s31 =	sadd.s32 $0xC00, s25;
	s29 =	simm.s32 @!p0 $0xB;
	[sflag:s20] =	ssyncadd.s32 $0xFFFFE000  }
0xbf: {  	[hbm4b:s31+s3] =	stream.linear.scatter [tilespmem:s23], [sflag:$0xC], $0x2000, $0x38;
	[tilespmem:$0x10400] =	vst v63  }
0xc0: {  	_ =	swait.ge @!p0 [sflag:s29], $0x2000  }
0xc1: {  	[sflag:s29] =	ssyncset.done @!p0 $0x0  }
0xc2: {  	[sflag:s29] =	ssyncadd.s32 @!p0 $0xFFFFE000  }
0xc3: {  	v4 =	vld.msk @!p0 [tilespmem:s8+$0x18], $0xff;
	_ =	sdelay $0x4  }
0xc4: {  	v5 =	vshll.u32 @!p0 v4, $0x3  }
0xc5: {  	v4 =	vand.u32 @!p0 $0x7, v4;
	v5 =	vand.u32 @!p0 $0xFFFFFFC0, v5  }
0xc6: {  	v4 =	vor.u32 @!p0 v4, v5  }
0xc7: {  	v4 =	vperm.xlane @!p0 v4, v2;
	_ =	sdelay $0x1  }
0xc8: {  	v4 =	vadd.s32 @!p0 v3, v4;
	_ =	sdelay $0x3  }
0xc9: {  	s29 =	simm.s32 @!p0 $0x4400  }
0xca: {  	[tilespmem:s29], [sflag:$0x3] =	stream.indirect_vreg.gather @!p0 [hbm4b:s2+s26], $0x80, v4, vm1, $0xb8;
	[tilespmem:$0x10400] =	vst v63  }
0xcb: {  	s29 =	simm.s32 @!p0 $0x4C00  }
0xcc: {  	[tilespmem:s29], [sflag:$0x3] =	stream.indirect_vreg.gather @!p0 [hbm4b:s5+s26], $0x80, v4, vm1, $0xb8;
	[tilespmem:$0x10400] =	vst v63  }
0xcd: {  	s29 =	simm.s32 @!p0 $0x5400  }
0xce: {  	[tilespmem:s29], [sflag:$0x3] =	stream.indirect_vreg.gather @!p0 [hbm4b:s6+s26], $0x80, v4, vm1, $0xb8;
	[tilespmem:$0x10400] =	vst v63  }
0xcf: {  	s29 =	simm.s32 @!p0 $0x5C00  }
0xd0: {  	[tilespmem:s29], [sflag:$0x3] =	stream.indirect_vreg.gather @!p0 [hbm4b:s7+s26], $0x80, v4, vm1, $0xb8;
	[tilespmem:$0x10400] =	vst v63  }
0xd1: {  	_ =	swait.ge [sflag:s21], $0x2000  }
0xd2: {  	[sflag:s21] =	ssyncset.done $0x0  }
0xd3: {  	s30 =	sadd.s32 $0x1000, s25;
	s29 =	simm.s32 @!p0 $0xC;
	[sflag:s21] =	ssyncadd.s32 $0xFFFFE000  }
0xd4: {  	[hbm4b:s30+s3] =	stream.linear.scatter [tilespmem:s28], [sflag:$0xD], $0x2000, $0x38;
	[tilespmem:$0x10400] =	vst v63  }
0xd5: {  	_ =	swait.ge @!p0 [sflag:s29], $0x2000  }
0xd6: {  	[sflag:s29] =	ssyncset.done @!p0 $0x0  }
0xd7: {  	[sflag:s29] =	ssyncadd.s32 @!p0 $0xFFFFE000  }
0xd8: {  	v4 =	vld.msk @!p0 [tilespmem:s8+$0x20], $0xff;
	_ =	sdelay $0x4  }
0xd9: {  	v5 =	vshll.u32 @!p0 v4, $0x3  }
0xda: {  	v4 =	vand.u32 @!p0 $0x7, v4;
	v5 =	vand.u32 @!p0 $0xFFFFFFC0, v5  }
0xdb: {  	v4 =	vor.u32 @!p0 v4, v5  }
0xdc: {  	v4 =	vperm.xlane @!p0 v4, v2;
	_ =	sdelay $0x1  }
0xdd: {  	v4 =	vadd.s32 @!p0 v3, v4;
	_ =	sdelay $0x3  }
0xde: {  	s29 =	simm.s32 @!p0 $0x6400  }
0xdf: {  	[tilespmem:s29], [sflag:$0x4] =	stream.indirect_vreg.gather @!p0 [hbm4b:s2+s26], $0x80, v4, vm1, $0xb8;
	[tilespmem:$0x10400] =	vst v63  }
0xe0: {  	s29 =	simm.s32 @!p0 $0x6C00  }
0xe1: {  	[tilespmem:s29], [sflag:$0x4] =	stream.indirect_vreg.gather @!p0 [hbm4b:s5+s26], $0x80, v4, vm1, $0xb8;
	[tilespmem:$0x10400] =	vst v63  }
0xe2: {  	s29 =	simm.s32 @!p0 $0x7400  }
0xe3: {  	[tilespmem:s29], [sflag:$0x4] =	stream.indirect_vreg.gather @!p0 [hbm4b:s6+s26], $0x80, v4, vm1, $0xb8;
	[tilespmem:$0x10400] =	vst v63  }
0xe4: {  	s29 =	simm.s32 @!p0 $0x7C00  }
0xe5: {  	[tilespmem:s29], [sflag:$0x4] =	stream.indirect_vreg.gather @!p0 [hbm4b:s7+s26], $0x80, v4, vm1, $0xb8;
	[tilespmem:$0x10400] =	vst v63  }
0xe6: {  	_ =	swait.ge [sflag:s22], $0x2000  }
0xe7: {  	[sflag:s22] =	ssyncset.done $0x0  }
0xe8: {  	s31 =	sadd.s32 $0x1400, s25;
	s29 =	simm.s32 @p0 $0x7;
	[sflag:s22] =	ssyncadd.s32 $0xFFFFE000  }
0xe9: {  	[hbm4b:s31+s3] =	stream.linear.scatter [tilespmem:s0], [sflag:$0xE], $0x2000, $0x38;
	[tilespmem:$0x10400] =	vst v63  }
0xea: {  	_ =	swait.ge @p0 [sflag:s29], $0x2000  }
0xeb: {  	s31 =	simm.s32 @p0 $0xC400;
	[sflag:s29] =	ssyncset.done @p0 $0x0  }
0xec: {  	s30 =	rddreg [dreg:$0x4];
	[sflag:s29] =	ssyncadd.s32 @p0 $0xFFFFE000;
	s29 =	simm.s32 @p0 $0x0  }
0xed: {  	[hbm4b:s30+s29] =	stream.linear.scatter @p0 [tilespmem:s31], [sflag:$0xF], $0x2000, $0x38;
	[tilespmem:$0x10400] =	vst v63  }
0xee: {  	s29 =	simm.s32 @!p0 $0xD  }
0xef: {  	_ =	swait.ge @!p0 [sflag:s29], $0x2000  }
0xf0: {  	[sflag:s29] =	ssyncset.done @!p0 $0x0  }
0xf1: {  	[sflag:s29] =	ssyncadd.s32 @!p0 $0xFFFFE000  }
0xf2: {  	v4 =	vld.msk @!p0 [tilespmem:s8+$0x28], $0xff;
	_ =	sdelay $0x4  }
0xf3: {  	v5 =	vshll.u32 @!p0 v4, $0x3  }
0xf4: {  	v4 =	vand.u32 @!p0 $0x7, v4;
	v5 =	vand.u32 @!p0 $0xFFFFFFC0, v5  }
0xf5: {  	v4 =	vor.u32 @!p0 v4, v5  }
0xf6: {  	v4 =	vperm.xlane @!p0 v4, v2;
	_ =	sdelay $0x1  }
0xf7: {  	v4 =	vadd.s32 @!p0 v3, v4;
	_ =	sdelay $0x3  }
0xf8: {  	s29 =	simm.s32 @!p0 $0x8400  }
0xf9: {  	[tilespmem:s29], [sflag:$0x5] =	stream.indirect_vreg.gather @!p0 [hbm4b:s2+s26], $0x80, v4, vm1, $0xb8;
	[tilespmem:$0x10400] =	vst v63  }
0xfa: {  	s29 =	simm.s32 @!p0 $0x8C00  }
0xfb: {  	[tilespmem:s29], [sflag:$0x5] =	stream.indirect_vreg.gather @!p0 [hbm4b:s5+s26], $0x80, v4, vm1, $0xb8;
	[tilespmem:$0x10400] =	vst v63  }
0xfc: {  	s29 =	simm.s32 @!p0 $0x9400  }
0xfd: {  	[tilespmem:s29], [sflag:$0x5] =	stream.indirect_vreg.gather @!p0 [hbm4b:s6+s26], $0x80, v4, vm1, $0xb8;
	[tilespmem:$0x10400] =	vst v63  }
0xfe: {  	s29 =	simm.s32 @!p0 $0x9C00  }
0xff: {  	[tilespmem:s29], [sflag:$0x5] =	stream.indirect_vreg.gather @!p0 [hbm4b:s7+s26], $0x80, v4, vm1, $0xb8;
	[tilespmem:$0x10400] =	vst v63  }
0x100: {  	s29 =	simm.s32 @!p0 $0x7  }
0x101: {  	_ =	swait.ge @!p0 [sflag:s29], $0x2000  }
0x102: {  	s30 =	sadd.s32 @!p0 s10, s9;
	[sflag:s29] =	ssyncset.done @!p0 $0x0  }
0x103: {  	[sflag:s29] =	ssyncadd.s32 @!p0 $0xFFFFE000;
	s29 =	sadd.s32 @!p0 $0x1800, s30;
	s30 =	simm.s32 @!p0 $0xC400  }
0x104: {  	[hbm4b:s29+s26] =	stream.linear.scatter @!p0 [tilespmem:s30], [sflag:$0xF], $0x2000, $0x38;
	[tilespmem:$0x10400] =	vst v63  }
0x105: {  	s29 =	simm.s32 @!p0 $0xE  }
0x106: {  	_ =	swait.ge @!p0 [sflag:s29], $0x2000  }
0x107: {  	[sflag:s29] =	ssyncset.done @!p0 $0x0  }
0x108: {  	[sflag:s29] =	ssyncadd.s32 @!p0 $0xFFFFE000  }
0x109: {  	v4 =	vld.msk @!p0 [tilespmem:s8+$0x30], $0xff;
	_ =	sdelay $0x4  }
0x10a: {  	v5 =	vshll.u32 @!p0 v4, $0x3  }
0x10b: {  	v4 =	vand.u32 @!p0 $0x7, v4;
	v5 =	vand.u32 @!p0 $0xFFFFFFC0, v5  }
0x10c: {  	v4 =	vor.u32 @!p0 v4, v5  }
0x10d: {  	v2 =	vperm.xlane @!p0 v4, v2;
	_ =	sdelay $0x1  }
0x10e: {  	v2 =	vadd.s32 @!p0 v3, v2;
	_ =	sdelay $0x3  }
0x10f: {  	s29 =	simm.s32 @!p0 $0xA400  }
0x110: {  	[tilespmem:s29], [sflag:$0x6] =	stream.indirect_vreg.gather @!p0 [hbm4b:s2+s26], $0x80, v2, vm1, $0xb8;
	[tilespmem:$0x10400] =	vst v63  }
0x111: {  	s29 =	simm.s32 @!p0 $0xAC00  }
0x112: {  	[tilespmem:s29], [sflag:$0x6] =	stream.indirect_vreg.gather @!p0 [hbm4b:s5+s26], $0x80, v2, vm1, $0xb8;
	[tilespmem:$0x10400] =	vst v63  }
0x113: {  	s29 =	simm.s32 @!p0 $0xB400  }
0x114: {  	[tilespmem:s29], [sflag:$0x6] =	stream.indirect_vreg.gather @!p0 [hbm4b:s6+s26], $0x80, v2, vm1, $0xb8;
	[tilespmem:$0x10400] =	vst v63  }
0x115: {  	s10 =	sadd.s32 $0x2000, s10;
	s29 =	simm.s32 @!p0 $0xBC00  }
0x116: {  	[tilespmem:s29], [sflag:$0x6] =	stream.indirect_vreg.gather @!p0 [hbm4b:s7+s26], $0x80, v2, vm1, $0xb8;
	[tilespmem:$0x10400] =	vst v63  }
0x117: {  	p0 =	sne.s32 s10, $0x20000  }
.Ltmp0:
0x118: {  	_ = 	snop;
	(pc) =	sbr.rel @p0 .LBB2_2-.Ltmp0, $4  }
0x119: {  	_ =	swait.ge [sflag:s24], $0x2000  }
0x11a: {  	[sflag:s24] =	ssyncset.done $0x0  }
0x11b: {  	s25 =	sadd.s32 $0x1C00, s25;
	s8 =	sadd.s32 $0x40, s8;
	[sflag:s24] =	ssyncadd.s32 $0xFFFFE000  }
0x11c: {  	[hbm4b:s25+s3] =	stream.linear.scatter [tilespmem:s16], [sflag:$0x10], $0x2000, $0x38;
	[tilespmem:$0x10400] =	vst v63  }
0x11d: {  	s8 =	simm.s32 $0x9  }
0x11e: {  	_ =	swait.ge [sflag:s8], $0x2000  }
0x11f: {  	[sflag:s8] =	ssyncset.done $0x0  }
0x120: {  	s25 =	simm.s32 $0xA;
	[sflag:s8] =	ssyncadd.s32 $0xFFFFE000  }
0x121: {  	_ =	swait.ge [sflag:s25], $0x2000  }
0x122: {  	[sflag:s25] =	ssyncset.done $0x0  }
0x123: {  	s26 =	simm.s32 $0xB;
	[sflag:s25] =	ssyncadd.s32 $0xFFFFE000  }
0x124: {  	_ =	swait.ge [sflag:s26], $0x2000  }
0x125: {  	[sflag:s26] =	ssyncset.done $0x0  }
0x126: {  	s29 =	simm.s32 $0xC;
	[sflag:s26] =	ssyncadd.s32 $0xFFFFE000  }
0x127: {  	_ =	swait.ge [sflag:s29], $0x2000  }
0x128: {  	[sflag:s29] =	ssyncset.done $0x0  }
0x129: {  	s30 =	simm.s32 $0xD;
	[sflag:s29] =	ssyncadd.s32 $0xFFFFE000  }
0x12a: {  	_ =	swait.ge [sflag:s30], $0x2000  }
0x12b: {  	[sflag:s30] =	ssyncset.done $0x0  }
0x12c: {  	[sflag:s30] =	ssyncadd.s32 $0xFFFFE000  }
0x12d: {  	_ =	swait.ge [sflag:s1], $0x2000  }
0x12e: {  	[sflag:s1] =	ssyncset.done $0x0  }
0x12f: {  	[sflag:s1] =	ssyncadd.s32 $0xFFFFE000  }
0x130: {  	_ =	swait.ge [sflag:s12], $0x2000  }
0x131: {  	[sflag:s12] =	ssyncset.done $0x0  }
0x132: {  	[sflag:s12] =	ssyncadd.s32 $0xFFFFE000  }
0x133: {  	_ =	swait.ge [sflag:s13], $0x2000  }
0x134: {  	s4 =	sadd.s32 $0x1, s4;
	s31 =	rddreg [dreg:$0xd]  }
0x135: {  	p0 =	sne.s32 s4, s31  }
.Ltmp1:
0x136: {  	_ = 	snop;
	(pc) =	sbr.rel @p0 .LBB2_1-.Ltmp1, $3  }
0x137: {  	_ =	sdelay $0x1  }
0x138: {  	[sflag:s13] =	ssyncset.done $0x0  }
0x139: {  	[sflag:s13] =	ssyncadd.s32 $0xFFFFE000  }
0x13a: {  	_ =	sfence.sel $0x180000  }
0x13b: {  	[bflag:$0x0] =	sbarrier.arrive $0xFFFF  }
0x13c: {  	_ =	strace $0x90000047  }
0x13d: {  	s0 =	stileid.u32;
	[bflag:$0x2] =	sbarrier.arrive $0xFFFF  }
0x13e: {  	p0 =	sne.s32 s0, $0x0;
	s0 =	rddreg [dreg:$0x3]  }
0x13f: {  	s0 =	sadd.s32 @!p0 $0x100000, s0  }
0x140: {  	[sflag:s0] =	ssyncadd.tile.s32 @!p0 $0x1;
	_ =	shalt  }
.Lfunc_end2:
_tile_overlayer_lowered:
.L_overlay_start_2:
0x141: {  	(tag) =	ssettag $0x2  }
0x142: {  	s0 =	rddreg [dreg:$0x0];
	s2 =	stileid.u32  }
0x143: {  	s1 =	rddreg [dreg:$0x1];
	p0 =	sne.s32 s2, $0x0  }
0x144: {  	s3 =	rddreg [dreg:$0x2];
	[bflag:$0x3] =	sbarrier.arrive $0xFFFF;
	s2 =	simm.s32 @!p0 $0x1C11  }
0x145: {  	[timem:s3], [sflag:s2] =	dma.local @!p0 [hbm:s0], s1  }
0x146: {  	s0 =	simm.s32 @!p0 $0x11  }
0x147: {  	_ =	swait.ge @!p0 [sflag:s0], s1  }
0x148: {  	s1 =	ssub.s32 @!p0 $0x0, s1;
	[sflag:s0] =	ssyncset.done @!p0 $0x0  }
0x149: {  	[sflag:s0] =	ssyncadd.s32 @!p0 s1  }
0x14a: {  	[bflag:$0x3] =	sbarrier.arrive $0xFFFF  }
0x14b: {  	_ =	shalt  }

</sc_bundles>
